<compile_context>
chip_gen: v7x
topology: tpu7x:2x2x1
jax: 0.10.2.dev20260603
libtpu: 0.0.44.dev20260713+nightly
codegen_flags: <defaults>
</compile_context>

<pallas_src>
import functools

import jax
import jax.numpy as jnp
from jax import lax
from jax.experimental import pallas as pl
from jax.experimental.pallas import tpu as pltpu
from jax.experimental.pallas import tpu_sc as plsc

_NUM_FACTORS = 32
_BATCH = 16384
_NC = 2
_NS = 16
_NW = _NC * _NS
_BPW = _BATCH // _NW
_CHUNK = 128
_NCHUNK = _BPW // _CHUNK
_L = 16


def _sc_body(uid_hbm, iid_hbm, ue_hbm, ub_hbm, ie_hbm, ib_hbm, out_hbm,
             idx_u, idx_q, rows_u, rows_q, bias_u, bias_q, out_v, sem):
    wid = lax.axis_index("s") * _NC + lax.axis_index("c")
    base = wid * _BPW

    cp_u = pltpu.async_copy(uid_hbm.at[pl.ds(base, _BPW)], idx_u, sem)
    cp_q = pltpu.async_copy(iid_hbm.at[pl.ds(base, _BPW)], idx_q, sem)
    cp_u.wait()
    cp_q.wait()

    copies = []
    for c in range(_NCHUNK):
        sl = pl.ds(c * _CHUNK, _CHUNK)
        copies.append(pltpu.async_copy(ue_hbm.at[idx_u.at[sl]], rows_u.at[sl], sem))
        copies.append(pltpu.async_copy(ie_hbm.at[idx_q.at[sl]], rows_q.at[sl], sem))
        copies.append(pltpu.async_copy(ub_hbm.at[idx_u.at[sl]], bias_u.at[sl], sem))
        copies.append(pltpu.async_copy(ib_hbm.at[idx_q.at[sl]], bias_q.at[sl], sem))
    for cp in copies:
        cp.wait()

    iota = lax.iota(jnp.int32, _L)
    zero = jnp.zeros((_L,), jnp.int32)

    def step(b, carry):
        sl = pl.ds(b * _L, _L)
        rid = b * _L + iota
        acc = bias_u[sl] + bias_q[sl]
        for f in range(_NUM_FACTORS):
            fv = zero + f
            u = plsc.load_gather(rows_u, [rid, fv])
            q = plsc.load_gather(rows_q, [rid, fv])
            acc = acc + u * q
        out_v[sl] = acc
        return carry

    lax.fori_loop(0, _BPW // _L, step, 0)
    pltpu.sync_copy(out_v, out_hbm.at[pl.ds(base, _BPW)])


_mesh = plsc.VectorSubcoreMesh(core_axis_name="c", subcore_axis_name="s")

_sc_kernel = functools.partial(
    pl.kernel,
    out_type=jax.ShapeDtypeStruct((_BATCH,), jnp.float32),
    mesh=_mesh,
    compiler_params=pltpu.CompilerParams(
        needs_layout_passes=False, use_tc_tiling_on_sc=False),
    scratch_types=[
        pltpu.VMEM((_BPW,), jnp.int32),
        pltpu.VMEM((_BPW,), jnp.int32),
        pltpu.VMEM((_BPW, _NUM_FACTORS), jnp.float32),
        pltpu.VMEM((_BPW, _NUM_FACTORS), jnp.float32),
        pltpu.VMEM((_BPW,), jnp.float32),
        pltpu.VMEM((_BPW,), jnp.float32),
        pltpu.VMEM((_BPW,), jnp.float32),
        pltpu.SemaphoreType.DMA,
    ],
)(_sc_body)


def kernel(user_id, item_id, user_embeddings, user_bias, item_embeddings, item_bias):
    uid = user_id.astype(jnp.int32)
    iid = item_id.astype(jnp.int32)
    return _sc_kernel(uid, iid, user_embeddings, user_bias.reshape(-1),
                      item_embeddings, item_bias.reshape(-1))

# --- scband reference (transcript-rebuilt; emitter-appended) ---
"""Pipeline reference for scband-matrix-factorization-3135326126759 (READ-ONLY COPY).

The authoritative reference and input builder live on the scoring server;
editing this copy changes nothing except your own understanding.
"""

import jax, jax.numpy as jnp
import numpy as np

NUM_FACTORS = 32
NUM_USERS = 1000000
NUM_ITEMS = 1000000
BATCH = 16384


def setup_inputs(seed: int = 0) -> dict:
    key = jax.random.key(seed)
    k1, k2, k3, k4, k5, k6 = jax.random.split(key, 6)
    user_id = jax.random.randint(k1, (BATCH,), 0, NUM_USERS, dtype=jnp.int64 if jax.config.jax_enable_x64 else jnp.int32)
    item_id = jax.random.randint(k2, (BATCH,), 0, NUM_ITEMS, dtype=jnp.int64 if jax.config.jax_enable_x64 else jnp.int32)
    user_embeddings = jax.random.normal(k3, (NUM_USERS, NUM_FACTORS), dtype=jnp.float32) * 0.01
    user_bias = jax.random.normal(k4, (NUM_USERS, 1), dtype=jnp.float32) * 0.01
    item_embeddings = jax.random.normal(k5, (NUM_ITEMS, NUM_FACTORS), dtype=jnp.float32) * 0.01
    item_bias = jax.random.normal(k6, (NUM_ITEMS, 1), dtype=jnp.float32) * 0.01
    return {
        "user_id": user_id,
        "item_id": item_id,
        "user_embeddings": user_embeddings,
        "user_bias": user_bias,
        "item_embeddings": item_embeddings,
        "item_bias": item_bias,
    }


def reference(user_id, item_id, user_embeddings, user_bias, item_embeddings, item_bias):
    P_u = jnp.take(user_embeddings, user_id, axis=0)   # [B, F]
    b_u = jnp.take(user_bias, user_id, axis=0)          # [B, 1]
    Q_i = jnp.take(item_embeddings, item_id, axis=0)   # [B, F]
    b_i = jnp.take(item_bias, item_id, axis=0)          # [B, 1]
    output = jnp.sum(P_u * Q_i, axis=1) + jnp.squeeze(b_u) + jnp.squeeze(b_i)
    return output

if __name__ == "__main__":
    import jax
    _d = setup_inputs()
    print(jax.jit(kernel)(*tuple(_d.values())))

</pallas_src>

<mosaic_0001>
#map = affine_map<(d0, d1) -> (0)>
#map1 = affine_map<(d0, d1) -> (0, 0)>
module attributes {stable_mosaic.version = 14 : i64} {
  func.func @_sc_body(%arg0: i32, %arg1: i32, %arg2: memref<16384xi32, #tpu.memory_space<hbm>>, %arg3: memref<16384xi32, #tpu.memory_space<hbm>>, %arg4: memref<1000000x32xf32, #tpu.memory_space<hbm>>, %arg5: memref<1000000xf32, #tpu.memory_space<hbm>>, %arg6: memref<1000000x32xf32, #tpu.memory_space<hbm>>, %arg7: memref<1000000xf32, #tpu.memory_space<hbm>>, %arg8: memref<16384xf32, #tpu.memory_space<hbm>>, %arg9: memref<512xi32, #tpu.memory_space<vmem>>, %arg10: memref<512xi32, #tpu.memory_space<vmem>>, %arg11: memref<512x32xf32, #tpu.memory_space<vmem>>, %arg12: memref<512x32xf32, #tpu.memory_space<vmem>>, %arg13: memref<512xf32, #tpu.memory_space<vmem>>, %arg14: memref<512xf32, #tpu.memory_space<vmem>>, %arg15: memref<512xf32, #tpu.memory_space<vmem>>, %arg16: memref<!tpu.dma_semaphore, #tpu.memory_space<semaphore_mem>>) attributes {dimension_semantics = [#tpu.dimension_semantics<core_parallel>, #tpu.dimension_semantics<subcore_parallel>], iteration_bounds = array<i64: 2, 16>, scalar_prefetch = 0 : i64, scratch_operands = 8 : i64, tpu.core_type = #tpu.core_type<sc_vector_subcore>, window_params = [{transform_indices = #map}, {transform_indices = #map}, {transform_indices = #map1}, {transform_indices = #map}, {transform_indices = #map1}, {transform_indices = #map}, {transform_indices = #map}]} {
    %mul3A = arith.constant 2 : i32
    %mul3A_0 = arith.muli %arg1, %mul3A : i32
    %add3A = arith.addi %mul3A_0, %arg0 : i32
    %mul3A_1 = arith.constant 512 : i32
    %mul3A_2 = arith.muli %add3A, %mul3A_1 : i32
    %dma_start3A = tpu.memref_slice %arg2[%mul3A_2] : memref<16384xi32, #tpu.memory_space<hbm>> -> memref<512xi32, #tpu.memory_space<hbm>>
    %dma_start3A_3 = tpu.memref_slice %arg2[%mul3A_2] : memref<16384xi32, #tpu.memory_space<hbm>> -> memref<512xi32, #tpu.memory_space<hbm>>
    tpu.enqueue_dma source(%dma_start3A_3 : memref<512xi32, #tpu.memory_space<hbm>>) target(%arg9 : memref<512xi32, #tpu.memory_space<vmem>>) target_semaphore(%arg16 : memref<!tpu.dma_semaphore, #tpu.memory_space<semaphore_mem>>)
    %dma_start3A_4 = tpu.memref_slice %arg3[%mul3A_2] : memref<16384xi32, #tpu.memory_space<hbm>> -> memref<512xi32, #tpu.memory_space<hbm>>
    %dma_start3A_5 = tpu.memref_slice %arg3[%mul3A_2] : memref<16384xi32, #tpu.memory_space<hbm>> -> memref<512xi32, #tpu.memory_space<hbm>>
    tpu.enqueue_dma source(%dma_start3A_5 : memref<512xi32, #tpu.memory_space<hbm>>) target(%arg10 : memref<512xi32, #tpu.memory_space<vmem>>) target_semaphore(%arg16 : memref<!tpu.dma_semaphore, #tpu.memory_space<semaphore_mem>>)
    %dma_wait3A = tpu.memref_slice %arg2[%mul3A_2] : memref<16384xi32, #tpu.memory_space<hbm>> -> memref<512xi32, #tpu.memory_space<hbm>>
    %dma_wait3A_6 = tpu.memref_slice %arg2[%mul3A_2] : memref<16384xi32, #tpu.memory_space<hbm>> -> memref<512xi32, #tpu.memory_space<hbm>>
    tpu.wait_dma2 semaphore(%arg16 : memref<!tpu.dma_semaphore, #tpu.memory_space<semaphore_mem>>) src(%dma_wait3A_6 : memref<512xi32, #tpu.memory_space<hbm>>) dst(%arg9 : memref<512xi32, #tpu.memory_space<vmem>>)
    %dma_wait3A_7 = tpu.memref_slice %arg3[%mul3A_2] : memref<16384xi32, #tpu.memory_space<hbm>> -> memref<512xi32, #tpu.memory_space<hbm>>
    %dma_wait3A_8 = tpu.memref_slice %arg3[%mul3A_2] : memref<16384xi32, #tpu.memory_space<hbm>> -> memref<512xi32, #tpu.memory_space<hbm>>
    tpu.wait_dma2 semaphore(%arg16 : memref<!tpu.dma_semaphore, #tpu.memory_space<semaphore_mem>>) src(%dma_wait3A_8 : memref<512xi32, #tpu.memory_space<hbm>>) dst(%arg10 : memref<512xi32, #tpu.memory_space<vmem>>)
    %dma_start3A_9 = arith.constant 0 : i32
    %dma_start3A_10 = arith.constant 0 : i32
    %dma_start3A_11 = tpu.memref_slice %arg11[%dma_start3A_9, %dma_start3A_10] : memref<512x32xf32, #tpu.memory_space<vmem>> -> memref<128x32xf32, #tpu.memory_space<vmem>>
    %dma_start3A_12 = arith.constant 0 : i32
    %dma_start3A_13 = tpu.memref_slice %arg9[%dma_start3A_12] : memref<512xi32, #tpu.memory_space<vmem>> -> memref<128xi32, #tpu.memory_space<vmem>>
    %dma_start3A_14 = arith.constant 0 : i32
    %dma_start3A_15 = arith.constant 0 : i32
    %dma_start3A_16 = tpu.memref_slice %arg4[%dma_start3A_14, %dma_start3A_15] : memref<1000000x32xf32, #tpu.memory_space<hbm>> -> memref<1000000x32xf32, #tpu.memory_space<hbm>>
    tpu.enqueue_indirect_dma source(%dma_start3A_16 : memref<1000000x32xf32, #tpu.memory_space<hbm>>) target(%dma_start3A_11 : memref<128x32xf32, #tpu.memory_space<vmem>>) offsets(%dma_start3A_13 : memref<128xi32, #tpu.memory_space<vmem>>) semaphore(%arg16 : memref<!tpu.dma_semaphore, #tpu.memory_space<semaphore_mem>>)
    %dma_start3A_17 = arith.constant 0 : i32
    %dma_start3A_18 = arith.constant 0 : i32
    %dma_start3A_19 = tpu.memref_slice %arg12[%dma_start3A_17, %dma_start3A_18] : memref<512x32xf32, #tpu.memory_space<vmem>> -> memref<128x32xf32, #tpu.memory_space<vmem>>
    %dma_start3A_20 = arith.constant 0 : i32
    %dma_start3A_21 = tpu.memref_slice %arg10[%dma_start3A_20] : memref<512xi32, #tpu.memory_space<vmem>> -> memref<128xi32, #tpu.memory_space<vmem>>
    %dma_start3A_22 = arith.constant 0 : i32
    %dma_start3A_23 = arith.constant 0 : i32
    %dma_start3A_24 = tpu.memref_slice %arg6[%dma_start3A_22, %dma_start3A_23] : memref<1000000x32xf32, #tpu.memory_space<hbm>> -> memref<1000000x32xf32, #tpu.memory_space<hbm>>
    tpu.enqueue_indirect_dma source(%dma_start3A_24 : memref<1000000x32xf32, #tpu.memory_space<hbm>>) target(%dma_start3A_19 : memref<128x32xf32, #tpu.memory_space<vmem>>) offsets(%dma_start3A_21 : memref<128xi32, #tpu.memory_space<vmem>>) semaphore(%arg16 : memref<!tpu.dma_semaphore, #tpu.memory_space<semaphore_mem>>)
    %dma_start3A_25 = arith.constant 0 : i32
    %dma_start3A_26 = tpu.memref_slice %arg13[%dma_start3A_25] : memref<512xf32, #tpu.memory_space<vmem>> -> memref<128xf32, #tpu.memory_space<vmem>>
    %dma_start3A_27 = arith.constant 0 : i32
    %dma_start3A_28 = tpu.memref_slice %arg9[%dma_start3A_27] : memref<512xi32, #tpu.memory_space<vmem>> -> memref<128xi32, #tpu.memory_space<vmem>>
    %dma_start3A_29 = arith.constant 0 : i32
    %dma_start3A_30 = tpu.memref_slice %arg5[%dma_start3A_29] : memref<1000000xf32, #tpu.memory_space<hbm>> -> memref<1000000xf32, #tpu.memory_space<hbm>>
    tpu.enqueue_indirect_dma source(%dma_start3A_30 : memref<1000000xf32, #tpu.memory_space<hbm>>) target(%dma_start3A_26 : memref<128xf32, #tpu.memory_space<vmem>>) offsets(%dma_start3A_28 : memref<128xi32, #tpu.memory_space<vmem>>) semaphore(%arg16 : memref<!tpu.dma_semaphore, #tpu.memory_space<semaphore_mem>>)
    %dma_start3A_31 = arith.constant 0 : i32
    %dma_start3A_32 = tpu.memref_slice %arg14[%dma_start3A_31] : memref<512xf32, #tpu.memory_space<vmem>> -> memref<128xf32, #tpu.memory_space<vmem>>
    %dma_start3A_33 = arith.constant 0 : i32
    %dma_start3A_34 = tpu.memref_slice %arg10[%dma_start3A_33] : memref<512xi32, #tpu.memory_space<vmem>> -> memref<128xi32, #tpu.memory_space<vmem>>
    %dma_start3A_35 = arith.constant 0 : i32
    %dma_start3A_36 = tpu.memref_slice %arg7[%dma_start3A_35] : memref<1000000xf32, #tpu.memory_space<hbm>> -> memref<1000000xf32, #tpu.memory_space<hbm>>
    tpu.enqueue_indirect_dma source(%dma_start3A_36 : memref<1000000xf32, #tpu.memory_space<hbm>>) target(%dma_start3A_32 : memref<128xf32, #tpu.memory_space<vmem>>) offsets(%dma_start3A_34 : memref<128xi32, #tpu.memory_space<vmem>>) semaphore(%arg16 : memref<!tpu.dma_semaphore, #tpu.memory_space<semaphore_mem>>)
    %dma_start3A_37 = arith.constant 128 : i32
    %dma_start3A_38 = arith.constant 0 : i32
    %dma_start3A_39 = tpu.memref_slice %arg11[%dma_start3A_37, %dma_start3A_38] : memref<512x32xf32, #tpu.memory_space<vmem>> -> memref<128x32xf32, #tpu.memory_space<vmem>>
    %dma_start3A_40 = arith.constant 128 : i32
    %dma_start3A_41 = tpu.memref_slice %arg9[%dma_start3A_40] : memref<512xi32, #tpu.memory_space<vmem>> -> memref<128xi32, #tpu.memory_space<vmem>>
    %dma_start3A_42 = arith.constant 0 : i32
    %dma_start3A_43 = arith.constant 0 : i32
    %dma_start3A_44 = tpu.memref_slice %arg4[%dma_start3A_42, %dma_start3A_43] : memref<1000000x32xf32, #tpu.memory_space<hbm>> -> memref<1000000x32xf32, #tpu.memory_space<hbm>>
    tpu.enqueue_indirect_dma source(%dma_start3A_44 : memref<1000000x32xf32, #tpu.memory_space<hbm>>) target(%dma_start3A_39 : memref<128x32xf32, #tpu.memory_space<vmem>>) offsets(%dma_start3A_41 : memref<128xi32, #tpu.memory_space<vmem>>) semaphore(%arg16 : memref<!tpu.dma_semaphore, #tpu.memory_space<semaphore_mem>>)
    %dma_start3A_45 = arith.constant 128 : i32
    %dma_start3A_46 = arith.constant 0 : i32
    %dma_start3A_47 = tpu.memref_slice %arg12[%dma_start3A_45, %dma_start3A_46] : memref<512x32xf32, #tpu.memory_space<vmem>> -> memref<128x32xf32, #tpu.memory_space<vmem>>
    %dma_start3A_48 = arith.constant 128 : i32
    %dma_start3A_49 = tpu.memref_slice %arg10[%dma_start3A_48] : memref<512xi32, #tpu.memory_space<vmem>> -> memref<128xi32, #tpu.memory_space<vmem>>
    %dma_start3A_50 = arith.constant 0 : i32
    %dma_start3A_51 = arith.constant 0 : i32
    %dma_start3A_52 = tpu.memref_slice %arg6[%dma_start3A_50, %dma_start3A_51] : memref<1000000x32xf32, #tpu.memory_space<hbm>> -> memref<1000000x32xf32, #tpu.memory_space<hbm>>
    tpu.enqueue_indirect_dma source(%dma_start3A_52 : memref<1000000x32xf32, #tpu.memory_space<hbm>>) target(%dma_start3A_47 : memref<128x32xf32, #tpu.memory_space<vmem>>) offsets(%dma_start3A_49 : memref<128xi32, #tpu.memory_space<vmem>>) semaphore(%arg16 : memref<!tpu.dma_semaphore, #tpu.memory_space<semaphore_mem>>)
    %dma_start3A_53 = arith.constant 128 : i32
    %dma_start3A_54 = tpu.memref_slice %arg13[%dma_start3A_53] : memref<512xf32, #tpu.memory_space<vmem>> -> memref<128xf32, #tpu.memory_space<vmem>>
    %dma_start3A_55 = arith.constant 128 : i32
    %dma_start3A_56 = tpu.memref_slice %arg9[%dma_start3A_55] : memref<512xi32, #tpu.memory_space<vmem>> -> memref<128xi32, #tpu.memory_space<vmem>>
    %dma_start3A_57 = arith.constant 0 : i32
    %dma_start3A_58 = tpu.memref_slice %arg5[%dma_start3A_57] : memref<1000000xf32, #tpu.memory_space<hbm>> -> memref<1000000xf32, #tpu.memory_space<hbm>>
    tpu.enqueue_indirect_dma source(%dma_start3A_58 : memref<1000000xf32, #tpu.memory_space<hbm>>) target(%dma_start3A_54 : memref<128xf32, #tpu.memory_space<vmem>>) offsets(%dma_start3A_56 : memref<128xi32, #tpu.memory_space<vmem>>) semaphore(%arg16 : memref<!tpu.dma_semaphore, #tpu.memory_space<semaphore_mem>>)
    %dma_start3A_59 = arith.constant 128 : i32
    %dma_start3A_60 = tpu.memref_slice %arg14[%dma_start3A_59] : memref<512xf32, #tpu.memory_space<vmem>> -> memref<128xf32, #tpu.memory_space<vmem>>
    %dma_start3A_61 = arith.constant 128 : i32
    %dma_start3A_62 = tpu.memref_slice %arg10[%dma_start3A_61] : memref<512xi32, #tpu.memory_space<vmem>> -> memref<128xi32, #tpu.memory_space<vmem>>
    %dma_start3A_63 = arith.constant 0 : i32
    %dma_start3A_64 = tpu.memref_slice %arg7[%dma_start3A_63] : memref<1000000xf32, #tpu.memory_space<hbm>> -> memref<1000000xf32, #tpu.memory_space<hbm>>
    tpu.enqueue_indirect_dma source(%dma_start3A_64 : memref<1000000xf32, #tpu.memory_space<hbm>>) target(%dma_start3A_60 : memref<128xf32, #tpu.memory_space<vmem>>) offsets(%dma_start3A_62 : memref<128xi32, #tpu.memory_space<vmem>>) semaphore(%arg16 : memref<!tpu.dma_semaphore, #tpu.memory_space<semaphore_mem>>)
    %dma_start3A_65 = arith.constant 256 : i32
    %dma_start3A_66 = arith.constant 0 : i32
    %dma_start3A_67 = tpu.memref_slice %arg11[%dma_start3A_65, %dma_start3A_66] : memref<512x32xf32, #tpu.memory_space<vmem>> -> memref<128x32xf32, #tpu.memory_space<vmem>>
    %dma_start3A_68 = arith.constant 256 : i32
    %dma_start3A_69 = tpu.memref_slice %arg9[%dma_start3A_68] : memref<512xi32, #tpu.memory_space<vmem>> -> memref<128xi32, #tpu.memory_space<vmem>>
    %dma_start3A_70 = arith.constant 0 : i32
    %dma_start3A_71 = arith.constant 0 : i32
    %dma_start3A_72 = tpu.memref_slice %arg4[%dma_start3A_70, %dma_start3A_71] : memref<1000000x32xf32, #tpu.memory_space<hbm>> -> memref<1000000x32xf32, #tpu.memory_space<hbm>>
    tpu.enqueue_indirect_dma source(%dma_start3A_72 : memref<1000000x32xf32, #tpu.memory_space<hbm>>) target(%dma_start3A_67 : memref<128x32xf32, #tpu.memory_space<vmem>>) offsets(%dma_start3A_69 : memref<128xi32, #tpu.memory_space<vmem>>) semaphore(%arg16 : memref<!tpu.dma_semaphore, #tpu.memory_space<semaphore_mem>>)
    %dma_start3A_73 = arith.constant 256 : i32
    %dma_start3A_74 = arith.constant 0 : i32
    %dma_start3A_75 = tpu.memref_slice %arg12[%dma_start3A_73, %dma_start3A_74] : memref<512x32xf32, #tpu.memory_space<vmem>> -> memref<128x32xf32, #tpu.memory_space<vmem>>
    %dma_start3A_76 = arith.constant 256 : i32
    %dma_start3A_77 = tpu.memref_slice %arg10[%dma_start3A_76] : memref<512xi32, #tpu.memory_space<vmem>> -> memref<128xi32, #tpu.memory_space<vmem>>
    %dma_start3A_78 = arith.constant 0 : i32
    %dma_start3A_79 = arith.constant 0 : i32
    %dma_start3A_80 = tpu.memref_slice %arg6[%dma_start3A_78, %dma_start3A_79] : memref<1000000x32xf32, #tpu.memory_space<hbm>> -> memref<1000000x32xf32, #tpu.memory_space<hbm>>
    tpu.enqueue_indirect_dma source(%dma_start3A_80 : memref<1000000x32xf32, #tpu.memory_space<hbm>>) target(%dma_start3A_75 : memref<128x32xf32, #tpu.memory_space<vmem>>) offsets(%dma_start3A_77 : memref<128xi32, #tpu.memory_space<vmem>>) semaphore(%arg16 : memref<!tpu.dma_semaphore, #tpu.memory_space<semaphore_mem>>)
    %dma_start3A_81 = arith.constant 256 : i32
    %dma_start3A_82 = tpu.memref_slice %arg13[%dma_start3A_81] : memref<512xf32, #tpu.memory_space<vmem>> -> memref<128xf32, #tpu.memory_space<vmem>>
    %dma_start3A_83 = arith.constant 256 : i32
    %dma_start3A_84 = tpu.memref_slice %arg9[%dma_start3A_83] : memref<512xi32, #tpu.memory_space<vmem>> -> memref<128xi32, #tpu.memory_space<vmem>>
    %dma_start3A_85 = arith.constant 0 : i32
    %dma_start3A_86 = tpu.memref_slice %arg5[%dma_start3A_85] : memref<1000000xf32, #tpu.memory_space<hbm>> -> memref<1000000xf32, #tpu.memory_space<hbm>>
    tpu.enqueue_indirect_dma source(%dma_start3A_86 : memref<1000000xf32, #tpu.memory_space<hbm>>) target(%dma_start3A_82 : memref<128xf32, #tpu.memory_space<vmem>>) offsets(%dma_start3A_84 : memref<128xi32, #tpu.memory_space<vmem>>) semaphore(%arg16 : memref<!tpu.dma_semaphore, #tpu.memory_space<semaphore_mem>>)
    %dma_start3A_87 = arith.constant 256 : i32
    %dma_start3A_88 = tpu.memref_slice %arg14[%dma_start3A_87] : memref<512xf32, #tpu.memory_space<vmem>> -> memref<128xf32, #tpu.memory_space<vmem>>
    %dma_start3A_89 = arith.constant 256 : i32
    %dma_start3A_90 = tpu.memref_slice %arg10[%dma_start3A_89] : memref<512xi32, #tpu.memory_space<vmem>> -> memref<128xi32, #tpu.memory_space<vmem>>
    %dma_start3A_91 = arith.constant 0 : i32
    %dma_start3A_92 = tpu.memref_slice %arg7[%dma_start3A_91] : memref<1000000xf32, #tpu.memory_space<hbm>> -> memref<1000000xf32, #tpu.memory_space<hbm>>
    tpu.enqueue_indirect_dma source(%dma_start3A_92 : memref<1000000xf32, #tpu.memory_space<hbm>>) target(%dma_start3A_88 : memref<128xf32, #tpu.memory_space<vmem>>) offsets(%dma_start3A_90 : memref<128xi32, #tpu.memory_space<vmem>>) semaphore(%arg16 : memref<!tpu.dma_semaphore, #tpu.memory_space<semaphore_mem>>)
    %dma_start3A_93 = arith.constant 384 : i32
    %dma_start3A_94 = arith.constant 0 : i32
    %dma_start3A_95 = tpu.memref_slice %arg11[%dma_start3A_93, %dma_start3A_94] : memref<512x32xf32, #tpu.memory_space<vmem>> -> memref<128x32xf32, #tpu.memory_space<vmem>>
    %dma_start3A_96 = arith.constant 384 : i32
    %dma_start3A_97 = tpu.memref_slice %arg9[%dma_start3A_96] : memref<512xi32, #tpu.memory_space<vmem>> -> memref<128xi32, #tpu.memory_space<vmem>>
    %dma_start3A_98 = arith.constant 0 : i32
    %dma_start3A_99 = arith.constant 0 : i32
    %dma_start3A_100 = tpu.memref_slice %arg4[%dma_start3A_98, %dma_start3A_99] : memref<1000000x32xf32, #tpu.memory_space<hbm>> -> memref<1000000x32xf32, #tpu.memory_space<hbm>>
    tpu.enqueue_indirect_dma source(%dma_start3A_100 : memref<1000000x32xf32, #tpu.memory_space<hbm>>) target(%dma_start3A_95 : memref<128x32xf32, #tpu.memory_space<vmem>>) offsets(%dma_start3A_97 : memref<128xi32, #tpu.memory_space<vmem>>) semaphore(%arg16 : memref<!tpu.dma_semaphore, #tpu.memory_space<semaphore_mem>>)
    %dma_start3A_101 = arith.constant 384 : i32
    %dma_start3A_102 = arith.constant 0 : i32
    %dma_start3A_103 = tpu.memref_slice %arg12[%dma_start3A_101, %dma_start3A_102] : memref<512x32xf32, #tpu.memory_space<vmem>> -> memref<128x32xf32, #tpu.memory_space<vmem>>
    %dma_start3A_104 = arith.constant 384 : i32
    %dma_start3A_105 = tpu.memref_slice %arg10[%dma_start3A_104] : memref<512xi32, #tpu.memory_space<vmem>> -> memref<128xi32, #tpu.memory_space<vmem>>
    %dma_start3A_106 = arith.constant 0 : i32
    %dma_start3A_107 = arith.constant 0 : i32
    %dma_start3A_108 = tpu.memref_slice %arg6[%dma_start3A_106, %dma_start3A_107] : memref<1000000x32xf32, #tpu.memory_space<hbm>> -> memref<1000000x32xf32, #tpu.memory_space<hbm>>
    tpu.enqueue_indirect_dma source(%dma_start3A_108 : memref<1000000x32xf32, #tpu.memory_space<hbm>>) target(%dma_start3A_103 : memref<128x32xf32, #tpu.memory_space<vmem>>) offsets(%dma_start3A_105 : memref<128xi32, #tpu.memory_space<vmem>>) semaphore(%arg16 : memref<!tpu.dma_semaphore, #tpu.memory_space<semaphore_mem>>)
    %dma_start3A_109 = arith.constant 384 : i32
    %dma_start3A_110 = tpu.memref_slice %arg13[%dma_start3A_109] : memref<512xf32, #tpu.memory_space<vmem>> -> memref<128xf32, #tpu.memory_space<vmem>>
    %dma_start3A_111 = arith.constant 384 : i32
    %dma_start3A_112 = tpu.memref_slice %arg9[%dma_start3A_111] : memref<512xi32, #tpu.memory_space<vmem>> -> memref<128xi32, #tpu.memory_space<vmem>>
    %dma_start3A_113 = arith.constant 0 : i32
    %dma_start3A_114 = tpu.memref_slice %arg5[%dma_start3A_113] : memref<1000000xf32, #tpu.memory_space<hbm>> -> memref<1000000xf32, #tpu.memory_space<hbm>>
    tpu.enqueue_indirect_dma source(%dma_start3A_114 : memref<1000000xf32, #tpu.memory_space<hbm>>) target(%dma_start3A_110 : memref<128xf32, #tpu.memory_space<vmem>>) offsets(%dma_start3A_112 : memref<128xi32, #tpu.memory_space<vmem>>) semaphore(%arg16 : memref<!tpu.dma_semaphore, #tpu.memory_space<semaphore_mem>>)
    %dma_start3A_115 = arith.constant 384 : i32
    %dma_start3A_116 = tpu.memref_slice %arg14[%dma_start3A_115] : memref<512xf32, #tpu.memory_space<vmem>> -> memref<128xf32, #tpu.memory_space<vmem>>
    %dma_start3A_117 = arith.constant 384 : i32
    %dma_start3A_118 = tpu.memref_slice %arg10[%dma_start3A_117] : memref<512xi32, #tpu.memory_space<vmem>> -> memref<128xi32, #tpu.memory_space<vmem>>
    %dma_start3A_119 = arith.constant 0 : i32
    %dma_start3A_120 = tpu.memref_slice %arg7[%dma_start3A_119] : memref<1000000xf32, #tpu.memory_space<hbm>> -> memref<1000000xf32, #tpu.memory_space<hbm>>
    tpu.enqueue_indirect_dma source(%dma_start3A_120 : memref<1000000xf32, #tpu.memory_space<hbm>>) target(%dma_start3A_116 : memref<128xf32, #tpu.memory_space<vmem>>) offsets(%dma_start3A_118 : memref<128xi32, #tpu.memory_space<vmem>>) semaphore(%arg16 : memref<!tpu.dma_semaphore, #tpu.memory_space<semaphore_mem>>)
    %dma_wait3A_121 = arith.constant 0 : i32
    %dma_wait3A_122 = arith.constant 0 : i32
    %dma_wait3A_123 = tpu.memref_slice %arg11[%dma_wait3A_121, %dma_wait3A_122] : memref<512x32xf32, #tpu.memory_space<vmem>> -> memref<128x32xf32, #tpu.memory_space<vmem>>
    %dma_wait3A_124 = arith.constant 0 : i32
    %dma_wait3A_125 = tpu.memref_slice %arg9[%dma_wait3A_124] : memref<512xi32, #tpu.memory_space<vmem>> -> memref<128xi32, #tpu.memory_space<vmem>>
    %dma_wait3A_126 = arith.constant 0 : i32
    %dma_wait3A_127 = arith.constant 0 : i32
    %dma_wait3A_128 = tpu.memref_slice %arg4[%dma_wait3A_126, %dma_wait3A_127] : memref<1000000x32xf32, #tpu.memory_space<hbm>> -> memref<1000000x32xf32, #tpu.memory_space<hbm>>
    tpu.wait_indirect_dma semaphore(%arg16 : memref<!tpu.dma_semaphore, #tpu.memory_space<semaphore_mem>>) src(%dma_wait3A_128 : memref<1000000x32xf32, #tpu.memory_space<hbm>>) dst(%dma_wait3A_123 : memref<128x32xf32, #tpu.memory_space<vmem>>)
    %dma_wait3A_129 = arith.constant 0 : i32
    %dma_wait3A_130 = arith.constant 0 : i32
    %dma_wait3A_131 = tpu.memref_slice %arg12[%dma_wait3A_129, %dma_wait3A_130] : memref<512x32xf32, #tpu.memory_space<vmem>> -> memref<128x32xf32, #tpu.memory_space<vmem>>
    %dma_wait3A_132 = arith.constant 0 : i32
    %dma_wait3A_133 = tpu.memref_slice %arg10[%dma_wait3A_132] : memref<512xi32, #tpu.memory_space<vmem>> -> memref<128xi32, #tpu.memory_space<vmem>>
    %dma_wait3A_134 = arith.constant 0 : i32
    %dma_wait3A_135 = arith.constant 0 : i32
    %dma_wait3A_136 = tpu.memref_slice %arg6[%dma_wait3A_134, %dma_wait3A_135] : memref<1000000x32xf32, #tpu.memory_space<hbm>> -> memref<1000000x32xf32, #tpu.memory_space<hbm>>
    tpu.wait_indirect_dma semaphore(%arg16 : memref<!tpu.dma_semaphore, #tpu.memory_space<semaphore_mem>>) src(%dma_wait3A_136 : memref<1000000x32xf32, #tpu.memory_space<hbm>>) dst(%dma_wait3A_131 : memref<128x32xf32, #tpu.memory_space<vmem>>)
    %dma_wait3A_137 = arith.constant 0 : i32
    %dma_wait3A_138 = tpu.memref_slice %arg13[%dma_wait3A_137] : memref<512xf32, #tpu.memory_space<vmem>> -> memref<128xf32, #tpu.memory_space<vmem>>
    %dma_wait3A_139 = arith.constant 0 : i32
    %dma_wait3A_140 = tpu.memref_slice %arg9[%dma_wait3A_139] : memref<512xi32, #tpu.memory_space<vmem>> -> memref<128xi32, #tpu.memory_space<vmem>>
    %dma_wait3A_141 = arith.constant 0 : i32
    %dma_wait3A_142 = tpu.memref_slice %arg5[%dma_wait3A_141] : memref<1000000xf32, #tpu.memory_space<hbm>> -> memref<1000000xf32, #tpu.memory_space<hbm>>
    tpu.wait_indirect_dma semaphore(%arg16 : memref<!tpu.dma_semaphore, #tpu.memory_space<semaphore_mem>>) src(%dma_wait3A_142 : memref<1000000xf32, #tpu.memory_space<hbm>>) dst(%dma_wait3A_138 : memref<128xf32, #tpu.memory_space<vmem>>)
    %dma_wait3A_143 = arith.constant 0 : i32
    %dma_wait3A_144 = tpu.memref_slice %arg14[%dma_wait3A_143] : memref<512xf32, #tpu.memory_space<vmem>> -> memref<128xf32, #tpu.memory_space<vmem>>
    %dma_wait3A_145 = arith.constant 0 : i32
    %dma_wait3A_146 = tpu.memref_slice %arg10[%dma_wait3A_145] : memref<512xi32, #tpu.memory_space<vmem>> -> memref<128xi32, #tpu.memory_space<vmem>>
    %dma_wait3A_147 = arith.constant 0 : i32
    %dma_wait3A_148 = tpu.memref_slice %arg7[%dma_wait3A_147] : memref<1000000xf32, #tpu.memory_space<hbm>> -> memref<1000000xf32, #tpu.memory_space<hbm>>
    tpu.wait_indirect_dma semaphore(%arg16 : memref<!tpu.dma_semaphore, #tpu.memory_space<semaphore_mem>>) src(%dma_wait3A_148 : memref<1000000xf32, #tpu.memory_space<hbm>>) dst(%dma_wait3A_144 : memref<128xf32, #tpu.memory_space<vmem>>)
    %dma_wait3A_149 = arith.constant 128 : i32
    %dma_wait3A_150 = arith.constant 0 : i32
    %dma_wait3A_151 = tpu.memref_slice %arg11[%dma_wait3A_149, %dma_wait3A_150] : memref<512x32xf32, #tpu.memory_space<vmem>> -> memref<128x32xf32, #tpu.memory_space<vmem>>
    %dma_wait3A_152 = arith.constant 128 : i32
    %dma_wait3A_153 = tpu.memref_slice %arg9[%dma_wait3A_152] : memref<512xi32, #tpu.memory_space<vmem>> -> memref<128xi32, #tpu.memory_space<vmem>>
    %dma_wait3A_154 = arith.constant 0 : i32
    %dma_wait3A_155 = arith.constant 0 : i32
    %dma_wait3A_156 = tpu.memref_slice %arg4[%dma_wait3A_154, %dma_wait3A_155] : memref<1000000x32xf32, #tpu.memory_space<hbm>> -> memref<1000000x32xf32, #tpu.memory_space<hbm>>
    tpu.wait_indirect_dma semaphore(%arg16 : memref<!tpu.dma_semaphore, #tpu.memory_space<semaphore_mem>>) src(%dma_wait3A_156 : memref<1000000x32xf32, #tpu.memory_space<hbm>>) dst(%dma_wait3A_151 : memref<128x32xf32, #tpu.memory_space<vmem>>)
    %dma_wait3A_157 = arith.constant 128 : i32
    %dma_wait3A_158 = arith.constant 0 : i32
    %dma_wait3A_159 = tpu.memref_slice %arg12[%dma_wait3A_157, %dma_wait3A_158] : memref<512x32xf32, #tpu.memory_space<vmem>> -> memref<128x32xf32, #tpu.memory_space<vmem>>
    %dma_wait3A_160 = arith.constant 128 : i32
    %dma_wait3A_161 = tpu.memref_slice %arg10[%dma_wait3A_160] : memref<512xi32, #tpu.memory_space<vmem>> -> memref<128xi32, #tpu.memory_space<vmem>>
    %dma_wait3A_162 = arith.constant 0 : i32
    %dma_wait3A_163 = arith.constant 0 : i32
    %dma_wait3A_164 = tpu.memref_slice %arg6[%dma_wait3A_162, %dma_wait3A_163] : memref<1000000x32xf32, #tpu.memory_space<hbm>> -> memref<1000000x32xf32, #tpu.memory_space<hbm>>
    tpu.wait_indirect_dma semaphore(%arg16 : memref<!tpu.dma_semaphore, #tpu.memory_space<semaphore_mem>>) src(%dma_wait3A_164 : memref<1000000x32xf32, #tpu.memory_space<hbm>>) dst(%dma_wait3A_159 : memref<128x32xf32, #tpu.memory_space<vmem>>)
    %dma_wait3A_165 = arith.constant 128 : i32
    %dma_wait3A_166 = tpu.memref_slice %arg13[%dma_wait3A_165] : memref<512xf32, #tpu.memory_space<vmem>> -> memref<128xf32, #tpu.memory_space<vmem>>
    %dma_wait3A_167 = arith.constant 128 : i32
    %dma_wait3A_168 = tpu.memref_slice %arg9[%dma_wait3A_167] : memref<512xi32, #tpu.memory_space<vmem>> -> memref<128xi32, #tpu.memory_space<vmem>>
    %dma_wait3A_169 = arith.constant 0 : i32
    %dma_wait3A_170 = tpu.memref_slice %arg5[%dma_wait3A_169] : memref<1000000xf32, #tpu.memory_space<hbm>> -> memref<1000000xf32, #tpu.memory_space<hbm>>
    tpu.wait_indirect_dma semaphore(%arg16 : memref<!tpu.dma_semaphore, #tpu.memory_space<semaphore_mem>>) src(%dma_wait3A_170 : memref<1000000xf32, #tpu.memory_space<hbm>>) dst(%dma_wait3A_166 : memref<128xf32, #tpu.memory_space<vmem>>)
    %dma_wait3A_171 = arith.constant 128 : i32
    %dma_wait3A_172 = tpu.memref_slice %arg14[%dma_wait3A_171] : memref<512xf32, #tpu.memory_space<vmem>> -> memref<128xf32, #tpu.memory_space<vmem>>
    %dma_wait3A_173 = arith.constant 128 : i32
    %dma_wait3A_174 = tpu.memref_slice %arg10[%dma_wait3A_173] : memref<512xi32, #tpu.memory_space<vmem>> -> memref<128xi32, #tpu.memory_space<vmem>>
    %dma_wait3A_175 = arith.constant 0 : i32
    %dma_wait3A_176 = tpu.memref_slice %arg7[%dma_wait3A_175] : memref<1000000xf32, #tpu.memory_space<hbm>> -> memref<1000000xf32, #tpu.memory_space<hbm>>
    tpu.wait_indirect_dma semaphore(%arg16 : memref<!tpu.dma_semaphore, #tpu.memory_space<semaphore_mem>>) src(%dma_wait3A_176 : memref<1000000xf32, #tpu.memory_space<hbm>>) dst(%dma_wait3A_172 : memref<128xf32, #tpu.memory_space<vmem>>)
    %dma_wait3A_177 = arith.constant 256 : i32
    %dma_wait3A_178 = arith.constant 0 : i32
    %dma_wait3A_179 = tpu.memref_slice %arg11[%dma_wait3A_177, %dma_wait3A_178] : memref<512x32xf32, #tpu.memory_space<vmem>> -> memref<128x32xf32, #tpu.memory_space<vmem>>
    %dma_wait3A_180 = arith.constant 256 : i32
    %dma_wait3A_181 = tpu.memref_slice %arg9[%dma_wait3A_180] : memref<512xi32, #tpu.memory_space<vmem>> -> memref<128xi32, #tpu.memory_space<vmem>>
    %dma_wait3A_182 = arith.constant 0 : i32
    %dma_wait3A_183 = arith.constant 0 : i32
    %dma_wait3A_184 = tpu.memref_slice %arg4[%dma_wait3A_182, %dma_wait3A_183] : memref<1000000x32xf32, #tpu.memory_space<hbm>> -> memref<1000000x32xf32, #tpu.memory_space<hbm>>
    tpu.wait_indirect_dma semaphore(%arg16 : memref<!tpu.dma_semaphore, #tpu.memory_space<semaphore_mem>>) src(%dma_wait3A_184 : memref<1000000x32xf32, #tpu.memory_space<hbm>>) dst(%dma_wait3A_179 : memref<128x32xf32, #tpu.memory_space<vmem>>)
    %dma_wait3A_185 = arith.constant 256 : i32
    %dma_wait3A_186 = arith.constant 0 : i32
    %dma_wait3A_187 = tpu.memref_slice %arg12[%dma_wait3A_185, %dma_wait3A_186] : memref<512x32xf32, #tpu.memory_space<vmem>> -> memref<128x32xf32, #tpu.memory_space<vmem>>
    %dma_wait3A_188 = arith.constant 256 : i32
    %dma_wait3A_189 = tpu.memref_slice %arg10[%dma_wait3A_188] : memref<512xi32, #tpu.memory_space<vmem>> -> memref<128xi32, #tpu.memory_space<vmem>>
    %dma_wait3A_190 = arith.constant 0 : i32
    %dma_wait3A_191 = arith.constant 0 : i32
    %dma_wait3A_192 = tpu.memref_slice %arg6[%dma_wait3A_190, %dma_wait3A_191] : memref<1000000x32xf32, #tpu.memory_space<hbm>> -> memref<1000000x32xf32, #tpu.memory_space<hbm>>
    tpu.wait_indirect_dma semaphore(%arg16 : memref<!tpu.dma_semaphore, #tpu.memory_space<semaphore_mem>>) src(%dma_wait3A_192 : memref<1000000x32xf32, #tpu.memory_space<hbm>>) dst(%dma_wait3A_187 : memref<128x32xf32, #tpu.memory_space<vmem>>)
    %dma_wait3A_193 = arith.constant 256 : i32
    %dma_wait3A_194 = tpu.memref_slice %arg13[%dma_wait3A_193] : memref<512xf32, #tpu.memory_space<vmem>> -> memref<128xf32, #tpu.memory_space<vmem>>
    %dma_wait3A_195 = arith.constant 256 : i32
    %dma_wait3A_196 = tpu.memref_slice %arg9[%dma_wait3A_195] : memref<512xi32, #tpu.memory_space<vmem>> -> memref<128xi32, #tpu.memory_space<vmem>>
    %dma_wait3A_197 = arith.constant 0 : i32
    %dma_wait3A_198 = tpu.memref_slice %arg5[%dma_wait3A_197] : memref<1000000xf32, #tpu.memory_space<hbm>> -> memref<1000000xf32, #tpu.memory_space<hbm>>
    tpu.wait_indirect_dma semaphore(%arg16 : memref<!tpu.dma_semaphore, #tpu.memory_space<semaphore_mem>>) src(%dma_wait3A_198 : memref<1000000xf32, #tpu.memory_space<hbm>>) dst(%dma_wait3A_194 : memref<128xf32, #tpu.memory_space<vmem>>)
    %dma_wait3A_199 = arith.constant 256 : i32
    %dma_wait3A_200 = tpu.memref_slice %arg14[%dma_wait3A_199] : memref<512xf32, #tpu.memory_space<vmem>> -> memref<128xf32, #tpu.memory_space<vmem>>
    %dma_wait3A_201 = arith.constant 256 : i32
    %dma_wait3A_202 = tpu.memref_slice %arg10[%dma_wait3A_201] : memref<512xi32, #tpu.memory_space<vmem>> -> memref<128xi32, #tpu.memory_space<vmem>>
    %dma_wait3A_203 = arith.constant 0 : i32
    %dma_wait3A_204 = tpu.memref_slice %arg7[%dma_wait3A_203] : memref<1000000xf32, #tpu.memory_space<hbm>> -> memref<1000000xf32, #tpu.memory_space<hbm>>
    tpu.wait_indirect_dma semaphore(%arg16 : memref<!tpu.dma_semaphore, #tpu.memory_space<semaphore_mem>>) src(%dma_wait3A_204 : memref<1000000xf32, #tpu.memory_space<hbm>>) dst(%dma_wait3A_200 : memref<128xf32, #tpu.memory_space<vmem>>)
    %dma_wait3A_205 = arith.constant 384 : i32
    %dma_wait3A_206 = arith.constant 0 : i32
    %dma_wait3A_207 = tpu.memref_slice %arg11[%dma_wait3A_205, %dma_wait3A_206] : memref<512x32xf32, #tpu.memory_space<vmem>> -> memref<128x32xf32, #tpu.memory_space<vmem>>
    %dma_wait3A_208 = arith.constant 384 : i32
    %dma_wait3A_209 = tpu.memref_slice %arg9[%dma_wait3A_208] : memref<512xi32, #tpu.memory_space<vmem>> -> memref<128xi32, #tpu.memory_space<vmem>>
    %dma_wait3A_210 = arith.constant 0 : i32
    %dma_wait3A_211 = arith.constant 0 : i32
    %dma_wait3A_212 = tpu.memref_slice %arg4[%dma_wait3A_210, %dma_wait3A_211] : memref<1000000x32xf32, #tpu.memory_space<hbm>> -> memref<1000000x32xf32, #tpu.memory_space<hbm>>
    tpu.wait_indirect_dma semaphore(%arg16 : memref<!tpu.dma_semaphore, #tpu.memory_space<semaphore_mem>>) src(%dma_wait3A_212 : memref<1000000x32xf32, #tpu.memory_space<hbm>>) dst(%dma_wait3A_207 : memref<128x32xf32, #tpu.memory_space<vmem>>)
    %dma_wait3A_213 = arith.constant 384 : i32
    %dma_wait3A_214 = arith.constant 0 : i32
    %dma_wait3A_215 = tpu.memref_slice %arg12[%dma_wait3A_213, %dma_wait3A_214] : memref<512x32xf32, #tpu.memory_space<vmem>> -> memref<128x32xf32, #tpu.memory_space<vmem>>
    %dma_wait3A_216 = arith.constant 384 : i32
    %dma_wait3A_217 = tpu.memref_slice %arg10[%dma_wait3A_216] : memref<512xi32, #tpu.memory_space<vmem>> -> memref<128xi32, #tpu.memory_space<vmem>>
    %dma_wait3A_218 = arith.constant 0 : i32
    %dma_wait3A_219 = arith.constant 0 : i32
    %dma_wait3A_220 = tpu.memref_slice %arg6[%dma_wait3A_218, %dma_wait3A_219] : memref<1000000x32xf32, #tpu.memory_space<hbm>> -> memref<1000000x32xf32, #tpu.memory_space<hbm>>
    tpu.wait_indirect_dma semaphore(%arg16 : memref<!tpu.dma_semaphore, #tpu.memory_space<semaphore_mem>>) src(%dma_wait3A_220 : memref<1000000x32xf32, #tpu.memory_space<hbm>>) dst(%dma_wait3A_215 : memref<128x32xf32, #tpu.memory_space<vmem>>)
    %dma_wait3A_221 = arith.constant 384 : i32
    %dma_wait3A_222 = tpu.memref_slice %arg13[%dma_wait3A_221] : memref<512xf32, #tpu.memory_space<vmem>> -> memref<128xf32, #tpu.memory_space<vmem>>
    %dma_wait3A_223 = arith.constant 384 : i32
    %dma_wait3A_224 = tpu.memref_slice %arg9[%dma_wait3A_223] : memref<512xi32, #tpu.memory_space<vmem>> -> memref<128xi32, #tpu.memory_space<vmem>>
    %dma_wait3A_225 = arith.constant 0 : i32
    %dma_wait3A_226 = tpu.memref_slice %arg5[%dma_wait3A_225] : memref<1000000xf32, #tpu.memory_space<hbm>> -> memref<1000000xf32, #tpu.memory_space<hbm>>
    tpu.wait_indirect_dma semaphore(%arg16 : memref<!tpu.dma_semaphore, #tpu.memory_space<semaphore_mem>>) src(%dma_wait3A_226 : memref<1000000xf32, #tpu.memory_space<hbm>>) dst(%dma_wait3A_222 : memref<128xf32, #tpu.memory_space<vmem>>)
    %dma_wait3A_227 = arith.constant 384 : i32
    %dma_wait3A_228 = tpu.memref_slice %arg14[%dma_wait3A_227] : memref<512xf32, #tpu.memory_space<vmem>> -> memref<128xf32, #tpu.memory_space<vmem>>
    %dma_wait3A_229 = arith.constant 384 : i32
    %dma_wait3A_230 = tpu.memref_slice %arg10[%dma_wait3A_229] : memref<512xi32, #tpu.memory_space<vmem>> -> memref<128xi32, #tpu.memory_space<vmem>>
    %dma_wait3A_231 = arith.constant 0 : i32
    %dma_wait3A_232 = tpu.memref_slice %arg7[%dma_wait3A_231] : memref<1000000xf32, #tpu.memory_space<hbm>> -> memref<1000000xf32, #tpu.memory_space<hbm>>
    tpu.wait_indirect_dma semaphore(%arg16 : memref<!tpu.dma_semaphore, #tpu.memory_space<semaphore_mem>>) src(%dma_wait3A_232 : memref<1000000xf32, #tpu.memory_space<hbm>>) dst(%dma_wait3A_228 : memref<128xf32, #tpu.memory_space<vmem>>)
    %iota3A = tpu.iota {dimensions = array<i32: 0>} : vector<16xi32>
    %broadcast_in_dim3A = arith.constant 0 : i32
    %broadcast_in_dim3A_233 = vector.broadcast %broadcast_in_dim3A : i32 to vector<16xi32>
    %scan3A = arith.constant 0 : i32
    %scan3A_234 = arith.constant 0 : i32
    %scan3A_235 = arith.constant 32 : i32
    %scan3A_236 = arith.addi %scan3A_234, %scan3A_235 : i32
    %scan3A_237 = arith.constant 1 : i32
    scf.for %scan3A_239 = %scan3A_234 to %scan3A_236 step %scan3A_237  : i32 {
      %mul3A_240 = arith.constant 16 : i32
      %mul3A_241 = arith.muli %scan3A_239, %mul3A_240 : i32
      %mul3A_242 = arith.constant 16 : i32
      %mul3A_243 = arith.muli %scan3A_239, %mul3A_242 : i32
      %add3A_244 = vector.broadcast %mul3A_243 : i32 to vector<16xi32>
      %add3A_245 = arith.addi %add3A_244, %iota3A : vector<16xi32>
      %get3A = arith.index_cast %mul3A_241 : i32 to index
      %get3A_246 = tpu.vector_load %arg13[%get3A] {strides = array<i32>} : memref<512xf32, #tpu.memory_space<vmem>>, vector<16xf32>,
      %get3A_247 = arith.index_cast %mul3A_241 : i32 to index
      %get3A_248 = tpu.vector_load %arg14[%get3A_247] {strides = array<i32>} : memref<512xf32, #tpu.memory_space<vmem>>, vector<16xf32>,
      %add3A_249 = arith.addf %get3A_246, %get3A_248 : vector<16xf32>
      %add3A_250 = arith.constant 0 : i32
      %add3A_251 = vector.broadcast %add3A_250 : i32 to vector<16xi32>
      %add3A_252 = arith.addi %broadcast_in_dim3A_233, %add3A_251 : vector<16xi32>
      %gather3A = tpu.vector_load_idx %arg11[%add3A_245, %add3A_252] : memref<512x32xf32, #tpu.memory_space<vmem>>[vector<16xi32>, vector<16xi32>], vector<16xf32>,
      %gather3A_253 = tpu.vector_load_idx %arg12[%add3A_245, %add3A_252] : memref<512x32xf32, #tpu.memory_space<vmem>>[vector<16xi32>, vector<16xi32>], vector<16xf32>,
      %mul3A_254 = arith.mulf %gather3A, %gather3A_253 : vector<16xf32>
      %add3A_255 = arith.addf %add3A_249, %mul3A_254 : vector<16xf32>
      %add3A_256 = arith.constant 1 : i32
      %add3A_257 = vector.broadcast %add3A_256 : i32 to vector<16xi32>
      %add3A_258 = arith.addi %broadcast_in_dim3A_233, %add3A_257 : vector<16xi32>
      %gather3A_259 = tpu.vector_load_idx %arg11[%add3A_245, %add3A_258] : memref<512x32xf32, #tpu.memory_space<vmem>>[vector<16xi32>, vector<16xi32>], vector<16xf32>,
      %gather3A_260 = tpu.vector_load_idx %arg12[%add3A_245, %add3A_258] : memref<512x32xf32, #tpu.memory_space<vmem>>[vector<16xi32>, vector<16xi32>], vector<16xf32>,
      %mul3A_261 = arith.mulf %gather3A_259, %gather3A_260 : vector<16xf32>
      %add3A_262 = arith.addf %add3A_255, %mul3A_261 : vector<16xf32>
      %add3A_263 = arith.constant 2 : i32
      %add3A_264 = vector.broadcast %add3A_263 : i32 to vector<16xi32>
      %add3A_265 = arith.addi %broadcast_in_dim3A_233, %add3A_264 : vector<16xi32>
      %gather3A_266 = tpu.vector_load_idx %arg11[%add3A_245, %add3A_265] : memref<512x32xf32, #tpu.memory_space<vmem>>[vector<16xi32>, vector<16xi32>], vector<16xf32>,
      %gather3A_267 = tpu.vector_load_idx %arg12[%add3A_245, %add3A_265] : memref<512x32xf32, #tpu.memory_space<vmem>>[vector<16xi32>, vector<16xi32>], vector<16xf32>,
      %mul3A_268 = arith.mulf %gather3A_266, %gather3A_267 : vector<16xf32>
      %add3A_269 = arith.addf %add3A_262, %mul3A_268 : vector<16xf32>
      %add3A_270 = arith.constant 3 : i32
      %add3A_271 = vector.broadcast %add3A_270 : i32 to vector<16xi32>
      %add3A_272 = arith.addi %broadcast_in_dim3A_233, %add3A_271 : vector<16xi32>
      %gather3A_273 = tpu.vector_load_idx %arg11[%add3A_245, %add3A_272] : memref<512x32xf32, #tpu.memory_space<vmem>>[vector<16xi32>, vector<16xi32>], vector<16xf32>,
      %gather3A_274 = tpu.vector_load_idx %arg12[%add3A_245, %add3A_272] : memref<512x32xf32, #tpu.memory_space<vmem>>[vector<16xi32>, vector<16xi32>], vector<16xf32>,
      %mul3A_275 = arith.mulf %gather3A_273, %gather3A_274 : vector<16xf32>
      %add3A_276 = arith.addf %add3A_269, %mul3A_275 : vector<16xf32>
      %add3A_277 = arith.constant 4 : i32
      %add3A_278 = vector.broadcast %add3A_277 : i32 to vector<16xi32>
      %add3A_279 = arith.addi %broadcast_in_dim3A_233, %add3A_278 : vector<16xi32>
      %gather3A_280 = tpu.vector_load_idx %arg11[%add3A_245, %add3A_279] : memref<512x32xf32, #tpu.memory_space<vmem>>[vector<16xi32>, vector<16xi32>], vector<16xf32>,
      %gather3A_281 = tpu.vector_load_idx %arg12[%add3A_245, %add3A_279] : memref<512x32xf32, #tpu.memory_space<vmem>>[vector<16xi32>, vector<16xi32>], vector<16xf32>,
      %mul3A_282 = arith.mulf %gather3A_280, %gather3A_281 : vector<16xf32>
      %add3A_283 = arith.addf %add3A_276, %mul3A_282 : vector<16xf32>
      %add3A_284 = arith.constant 5 : i32
      %add3A_285 = vector.broadcast %add3A_284 : i32 to vector<16xi32>
      %add3A_286 = arith.addi %broadcast_in_dim3A_233, %add3A_285 : vector<16xi32>
      %gather3A_287 = tpu.vector_load_idx %arg11[%add3A_245, %add3A_286] : memref<512x32xf32, #tpu.memory_space<vmem>>[vector<16xi32>, vector<16xi32>], vector<16xf32>,
      %gather3A_288 = tpu.vector_load_idx %arg12[%add3A_245, %add3A_286] : memref<512x32xf32, #tpu.memory_space<vmem>>[vector<16xi32>, vector<16xi32>], vector<16xf32>,
      %mul3A_289 = arith.mulf %gather3A_287, %gather3A_288 : vector<16xf32>
      %add3A_290 = arith.addf %add3A_283, %mul3A_289 : vector<16xf32>
      %add3A_291 = arith.constant 6 : i32
      %add3A_292 = vector.broadcast %add3A_291 : i32 to vector<16xi32>
      %add3A_293 = arith.addi %broadcast_in_dim3A_233, %add3A_292 : vector<16xi32>
      %gather3A_294 = tpu.vector_load_idx %arg11[%add3A_245, %add3A_293] : memref<512x32xf32, #tpu.memory_space<vmem>>[vector<16xi32>, vector<16xi32>], vector<16xf32>,
      %gather3A_295 = tpu.vector_load_idx %arg12[%add3A_245, %add3A_293] : memref<512x32xf32, #tpu.memory_space<vmem>>[vector<16xi32>, vector<16xi32>], vector<16xf32>,
      %mul3A_296 = arith.mulf %gather3A_294, %gather3A_295 : vector<16xf32>
      %add3A_297 = arith.addf %add3A_290, %mul3A_296 : vector<16xf32>
      %add3A_298 = arith.constant 7 : i32
      %add3A_299 = vector.broadcast %add3A_298 : i32 to vector<16xi32>
      %add3A_300 = arith.addi %broadcast_in_dim3A_233, %add3A_299 : vector<16xi32>
      %gather3A_301 = tpu.vector_load_idx %arg11[%add3A_245, %add3A_300] : memref<512x32xf32, #tpu.memory_space<vmem>>[vector<16xi32>, vector<16xi32>], vector<16xf32>,
      %gather3A_302 = tpu.vector_load_idx %arg12[%add3A_245, %add3A_300] : memref<512x32xf32, #tpu.memory_space<vmem>>[vector<16xi32>, vector<16xi32>], vector<16xf32>,
      %mul3A_303 = arith.mulf %gather3A_301, %gather3A_302 : vector<16xf32>
      %add3A_304 = arith.addf %add3A_297, %mul3A_303 : vector<16xf32>
      %add3A_305 = arith.constant 8 : i32
      %add3A_306 = vector.broadcast %add3A_305 : i32 to vector<16xi32>
      %add3A_307 = arith.addi %broadcast_in_dim3A_233, %add3A_306 : vector<16xi32>
      %gather3A_308 = tpu.vector_load_idx %arg11[%add3A_245, %add3A_307] : memref<512x32xf32, #tpu.memory_space<vmem>>[vector<16xi32>, vector<16xi32>], vector<16xf32>,
      %gather3A_309 = tpu.vector_load_idx %arg12[%add3A_245, %add3A_307] : memref<512x32xf32, #tpu.memory_space<vmem>>[vector<16xi32>, vector<16xi32>], vector<16xf32>,
      %mul3A_310 = arith.mulf %gather3A_308, %gather3A_309 : vector<16xf32>
      %add3A_311 = arith.addf %add3A_304, %mul3A_310 : vector<16xf32>
      %add3A_312 = arith.constant 9 : i32
      %add3A_313 = vector.broadcast %add3A_312 : i32 to vector<16xi32>
      %add3A_314 = arith.addi %broadcast_in_dim3A_233, %add3A_313 : vector<16xi32>
      %gather3A_315 = tpu.vector_load_idx %arg11[%add3A_245, %add3A_314] : memref<512x32xf32, #tpu.memory_space<vmem>>[vector<16xi32>, vector<16xi32>], vector<16xf32>,
      %gather3A_316 = tpu.vector_load_idx %arg12[%add3A_245, %add3A_314] : memref<512x32xf32, #tpu.memory_space<vmem>>[vector<16xi32>, vector<16xi32>], vector<16xf32>,
      %mul3A_317 = arith.mulf %gather3A_315, %gather3A_316 : vector<16xf32>
      %add3A_318 = arith.addf %add3A_311, %mul3A_317 : vector<16xf32>
      %add3A_319 = arith.constant 10 : i32
      %add3A_320 = vector.broadcast %add3A_319 : i32 to vector<16xi32>
      %add3A_321 = arith.addi %broadcast_in_dim3A_233, %add3A_320 : vector<16xi32>
      %gather3A_322 = tpu.vector_load_idx %arg11[%add3A_245, %add3A_321] : memref<512x32xf32, #tpu.memory_space<vmem>>[vector<16xi32>, vector<16xi32>], vector<16xf32>,
      %gather3A_323 = tpu.vector_load_idx %arg12[%add3A_245, %add3A_321] : memref<512x32xf32, #tpu.memory_space<vmem>>[vector<16xi32>, vector<16xi32>], vector<16xf32>,
      %mul3A_324 = arith.mulf %gather3A_322, %gather3A_323 : vector<16xf32>
      %add3A_325 = arith.addf %add3A_318, %mul3A_324 : vector<16xf32>
      %add3A_326 = arith.constant 11 : i32
      %add3A_327 = vector.broadcast %add3A_326 : i32 to vector<16xi32>
      %add3A_328 = arith.addi %broadcast_in_dim3A_233, %add3A_327 : vector<16xi32>
      %gather3A_329 = tpu.vector_load_idx %arg11[%add3A_245, %add3A_328] : memref<512x32xf32, #tpu.memory_space<vmem>>[vector<16xi32>, vector<16xi32>], vector<16xf32>,
      %gather3A_330 = tpu.vector_load_idx %arg12[%add3A_245, %add3A_328] : memref<512x32xf32, #tpu.memory_space<vmem>>[vector<16xi32>, vector<16xi32>], vector<16xf32>,
      %mul3A_331 = arith.mulf %gather3A_329, %gather3A_330 : vector<16xf32>
      %add3A_332 = arith.addf %add3A_325, %mul3A_331 : vector<16xf32>
      %add3A_333 = arith.constant 12 : i32
      %add3A_334 = vector.broadcast %add3A_333 : i32 to vector<16xi32>
      %add3A_335 = arith.addi %broadcast_in_dim3A_233, %add3A_334 : vector<16xi32>
      %gather3A_336 = tpu.vector_load_idx %arg11[%add3A_245, %add3A_335] : memref<512x32xf32, #tpu.memory_space<vmem>>[vector<16xi32>, vector<16xi32>], vector<16xf32>,
      %gather3A_337 = tpu.vector_load_idx %arg12[%add3A_245, %add3A_335] : memref<512x32xf32, #tpu.memory_space<vmem>>[vector<16xi32>, vector<16xi32>], vector<16xf32>,
      %mul3A_338 = arith.mulf %gather3A_336, %gather3A_337 : vector<16xf32>
      %add3A_339 = arith.addf %add3A_332, %mul3A_338 : vector<16xf32>
      %add3A_340 = arith.constant 13 : i32
      %add3A_341 = vector.broadcast %add3A_340 : i32 to vector<16xi32>
      %add3A_342 = arith.addi %broadcast_in_dim3A_233, %add3A_341 : vector<16xi32>
      %gather3A_343 = tpu.vector_load_idx %arg11[%add3A_245, %add3A_342] : memref<512x32xf32, #tpu.memory_space<vmem>>[vector<16xi32>, vector<16xi32>], vector<16xf32>,
      %gather3A_344 = tpu.vector_load_idx %arg12[%add3A_245, %add3A_342] : memref<512x32xf32, #tpu.memory_space<vmem>>[vector<16xi32>, vector<16xi32>], vector<16xf32>,
      %mul3A_345 = arith.mulf %gather3A_343, %gather3A_344 : vector<16xf32>
      %add3A_346 = arith.addf %add3A_339, %mul3A_345 : vector<16xf32>
      %add3A_347 = arith.constant 14 : i32
      %add3A_348 = vector.broadcast %add3A_347 : i32 to vector<16xi32>
      %add3A_349 = arith.addi %broadcast_in_dim3A_233, %add3A_348 : vector<16xi32>
      %gather3A_350 = tpu.vector_load_idx %arg11[%add3A_245, %add3A_349] : memref<512x32xf32, #tpu.memory_space<vmem>>[vector<16xi32>, vector<16xi32>], vector<16xf32>,
      %gather3A_351 = tpu.vector_load_idx %arg12[%add3A_245, %add3A_349] : memref<512x32xf32, #tpu.memory_space<vmem>>[vector<16xi32>, vector<16xi32>], vector<16xf32>,
      %mul3A_352 = arith.mulf %gather3A_350, %gather3A_351 : vector<16xf32>
      %add3A_353 = arith.addf %add3A_346, %mul3A_352 : vector<16xf32>
      %add3A_354 = arith.constant 15 : i32
      %add3A_355 = vector.broadcast %add3A_354 : i32 to vector<16xi32>
      %add3A_356 = arith.addi %broadcast_in_dim3A_233, %add3A_355 : vector<16xi32>
      %gather3A_357 = tpu.vector_load_idx %arg11[%add3A_245, %add3A_356] : memref<512x32xf32, #tpu.memory_space<vmem>>[vector<16xi32>, vector<16xi32>], vector<16xf32>,
      %gather3A_358 = tpu.vector_load_idx %arg12[%add3A_245, %add3A_356] : memref<512x32xf32, #tpu.memory_space<vmem>>[vector<16xi32>, vector<16xi32>], vector<16xf32>,
      %mul3A_359 = arith.mulf %gather3A_357, %gather3A_358 : vector<16xf32>
      %add3A_360 = arith.addf %add3A_353, %mul3A_359 : vector<16xf32>
      %add3A_361 = arith.constant 16 : i32
      %add3A_362 = vector.broadcast %add3A_361 : i32 to vector<16xi32>
      %add3A_363 = arith.addi %broadcast_in_dim3A_233, %add3A_362 : vector<16xi32>
      %gather3A_364 = tpu.vector_load_idx %arg11[%add3A_245, %add3A_363] : memref<512x32xf32, #tpu.memory_space<vmem>>[vector<16xi32>, vector<16xi32>], vector<16xf32>,
      %gather3A_365 = tpu.vector_load_idx %arg12[%add3A_245, %add3A_363] : memref<512x32xf32, #tpu.memory_space<vmem>>[vector<16xi32>, vector<16xi32>], vector<16xf32>,
      %mul3A_366 = arith.mulf %gather3A_364, %gather3A_365 : vector<16xf32>
      %add3A_367 = arith.addf %add3A_360, %mul3A_366 : vector<16xf32>
      %add3A_368 = arith.constant 17 : i32
      %add3A_369 = vector.broadcast %add3A_368 : i32 to vector<16xi32>
      %add3A_370 = arith.addi %broadcast_in_dim3A_233, %add3A_369 : vector<16xi32>
      %gather3A_371 = tpu.vector_load_idx %arg11[%add3A_245, %add3A_370] : memref<512x32xf32, #tpu.memory_space<vmem>>[vector<16xi32>, vector<16xi32>], vector<16xf32>,
      %gather3A_372 = tpu.vector_load_idx %arg12[%add3A_245, %add3A_370] : memref<512x32xf32, #tpu.memory_space<vmem>>[vector<16xi32>, vector<16xi32>], vector<16xf32>,
      %mul3A_373 = arith.mulf %gather3A_371, %gather3A_372 : vector<16xf32>
      %add3A_374 = arith.addf %add3A_367, %mul3A_373 : vector<16xf32>
      %add3A_375 = arith.constant 18 : i32
      %add3A_376 = vector.broadcast %add3A_375 : i32 to vector<16xi32>
      %add3A_377 = arith.addi %broadcast_in_dim3A_233, %add3A_376 : vector<16xi32>
      %gather3A_378 = tpu.vector_load_idx %arg11[%add3A_245, %add3A_377] : memref<512x32xf32, #tpu.memory_space<vmem>>[vector<16xi32>, vector<16xi32>], vector<16xf32>,
      %gather3A_379 = tpu.vector_load_idx %arg12[%add3A_245, %add3A_377] : memref<512x32xf32, #tpu.memory_space<vmem>>[vector<16xi32>, vector<16xi32>], vector<16xf32>,
      %mul3A_380 = arith.mulf %gather3A_378, %gather3A_379 : vector<16xf32>
      %add3A_381 = arith.addf %add3A_374, %mul3A_380 : vector<16xf32>
      %add3A_382 = arith.constant 19 : i32
      %add3A_383 = vector.broadcast %add3A_382 : i32 to vector<16xi32>
      %add3A_384 = arith.addi %broadcast_in_dim3A_233, %add3A_383 : vector<16xi32>
      %gather3A_385 = tpu.vector_load_idx %arg11[%add3A_245, %add3A_384] : memref<512x32xf32, #tpu.memory_space<vmem>>[vector<16xi32>, vector<16xi32>], vector<16xf32>,
      %gather3A_386 = tpu.vector_load_idx %arg12[%add3A_245, %add3A_384] : memref<512x32xf32, #tpu.memory_space<vmem>>[vector<16xi32>, vector<16xi32>], vector<16xf32>,
      %mul3A_387 = arith.mulf %gather3A_385, %gather3A_386 : vector<16xf32>
      %add3A_388 = arith.addf %add3A_381, %mul3A_387 : vector<16xf32>
      %add3A_389 = arith.constant 20 : i32
      %add3A_390 = vector.broadcast %add3A_389 : i32 to vector<16xi32>
      %add3A_391 = arith.addi %broadcast_in_dim3A_233, %add3A_390 : vector<16xi32>
      %gather3A_392 = tpu.vector_load_idx %arg11[%add3A_245, %add3A_391] : memref<512x32xf32, #tpu.memory_space<vmem>>[vector<16xi32>, vector<16xi32>], vector<16xf32>,
      %gather3A_393 = tpu.vector_load_idx %arg12[%add3A_245, %add3A_391] : memref<512x32xf32, #tpu.memory_space<vmem>>[vector<16xi32>, vector<16xi32>], vector<16xf32>,
      %mul3A_394 = arith.mulf %gather3A_392, %gather3A_393 : vector<16xf32>
      %add3A_395 = arith.addf %add3A_388, %mul3A_394 : vector<16xf32>
      %add3A_396 = arith.constant 21 : i32
      %add3A_397 = vector.broadcast %add3A_396 : i32 to vector<16xi32>
      %add3A_398 = arith.addi %broadcast_in_dim3A_233, %add3A_397 : vector<16xi32>
      %gather3A_399 = tpu.vector_load_idx %arg11[%add3A_245, %add3A_398] : memref<512x32xf32, #tpu.memory_space<vmem>>[vector<16xi32>, vector<16xi32>], vector<16xf32>,
      %gather3A_400 = tpu.vector_load_idx %arg12[%add3A_245, %add3A_398] : memref<512x32xf32, #tpu.memory_space<vmem>>[vector<16xi32>, vector<16xi32>], vector<16xf32>,
      %mul3A_401 = arith.mulf %gather3A_399, %gather3A_400 : vector<16xf32>
      %add3A_402 = arith.addf %add3A_395, %mul3A_401 : vector<16xf32>
      %add3A_403 = arith.constant 22 : i32
      %add3A_404 = vector.broadcast %add3A_403 : i32 to vector<16xi32>
      %add3A_405 = arith.addi %broadcast_in_dim3A_233, %add3A_404 : vector<16xi32>
      %gather3A_406 = tpu.vector_load_idx %arg11[%add3A_245, %add3A_405] : memref<512x32xf32, #tpu.memory_space<vmem>>[vector<16xi32>, vector<16xi32>], vector<16xf32>,
      %gather3A_407 = tpu.vector_load_idx %arg12[%add3A_245, %add3A_405] : memref<512x32xf32, #tpu.memory_space<vmem>>[vector<16xi32>, vector<16xi32>], vector<16xf32>,
      %mul3A_408 = arith.mulf %gather3A_406, %gather3A_407 : vector<16xf32>
      %add3A_409 = arith.addf %add3A_402, %mul3A_408 : vector<16xf32>
      %add3A_410 = arith.constant 23 : i32
      %add3A_411 = vector.broadcast %add3A_410 : i32 to vector<16xi32>
      %add3A_412 = arith.addi %broadcast_in_dim3A_233, %add3A_411 : vector<16xi32>
      %gather3A_413 = tpu.vector_load_idx %arg11[%add3A_245, %add3A_412] : memref<512x32xf32, #tpu.memory_space<vmem>>[vector<16xi32>, vector<16xi32>], vector<16xf32>,
      %gather3A_414 = tpu.vector_load_idx %arg12[%add3A_245, %add3A_412] : memref<512x32xf32, #tpu.memory_space<vmem>>[vector<16xi32>, vector<16xi32>], vector<16xf32>,
      %mul3A_415 = arith.mulf %gather3A_413, %gather3A_414 : vector<16xf32>
      %add3A_416 = arith.addf %add3A_409, %mul3A_415 : vector<16xf32>
      %add3A_417 = arith.constant 24 : i32
      %add3A_418 = vector.broadcast %add3A_417 : i32 to vector<16xi32>
      %add3A_419 = arith.addi %broadcast_in_dim3A_233, %add3A_418 : vector<16xi32>
      %gather3A_420 = tpu.vector_load_idx %arg11[%add3A_245, %add3A_419] : memref<512x32xf32, #tpu.memory_space<vmem>>[vector<16xi32>, vector<16xi32>], vector<16xf32>,
      %gather3A_421 = tpu.vector_load_idx %arg12[%add3A_245, %add3A_419] : memref<512x32xf32, #tpu.memory_space<vmem>>[vector<16xi32>, vector<16xi32>], vector<16xf32>,
      %mul3A_422 = arith.mulf %gather3A_420, %gather3A_421 : vector<16xf32>
      %add3A_423 = arith.addf %add3A_416, %mul3A_422 : vector<16xf32>
      %add3A_424 = arith.constant 25 : i32
      %add3A_425 = vector.broadcast %add3A_424 : i32 to vector<16xi32>
      %add3A_426 = arith.addi %broadcast_in_dim3A_233, %add3A_425 : vector<16xi32>
      %gather3A_427 = tpu.vector_load_idx %arg11[%add3A_245, %add3A_426] : memref<512x32xf32, #tpu.memory_space<vmem>>[vector<16xi32>, vector<16xi32>], vector<16xf32>,
      %gather3A_428 = tpu.vector_load_idx %arg12[%add3A_245, %add3A_426] : memref<512x32xf32, #tpu.memory_space<vmem>>[vector<16xi32>, vector<16xi32>], vector<16xf32>,
      %mul3A_429 = arith.mulf %gather3A_427, %gather3A_428 : vector<16xf32>
      %add3A_430 = arith.addf %add3A_423, %mul3A_429 : vector<16xf32>
      %add3A_431 = arith.constant 26 : i32
      %add3A_432 = vector.broadcast %add3A_431 : i32 to vector<16xi32>
      %add3A_433 = arith.addi %broadcast_in_dim3A_233, %add3A_432 : vector<16xi32>
      %gather3A_434 = tpu.vector_load_idx %arg11[%add3A_245, %add3A_433] : memref<512x32xf32, #tpu.memory_space<vmem>>[vector<16xi32>, vector<16xi32>], vector<16xf32>,
      %gather3A_435 = tpu.vector_load_idx %arg12[%add3A_245, %add3A_433] : memref<512x32xf32, #tpu.memory_space<vmem>>[vector<16xi32>, vector<16xi32>], vector<16xf32>,
      %mul3A_436 = arith.mulf %gather3A_434, %gather3A_435 : vector<16xf32>
      %add3A_437 = arith.addf %add3A_430, %mul3A_436 : vector<16xf32>
      %add3A_438 = arith.constant 27 : i32
      %add3A_439 = vector.broadcast %add3A_438 : i32 to vector<16xi32>
      %add3A_440 = arith.addi %broadcast_in_dim3A_233, %add3A_439 : vector<16xi32>
      %gather3A_441 = tpu.vector_load_idx %arg11[%add3A_245, %add3A_440] : memref<512x32xf32, #tpu.memory_space<vmem>>[vector<16xi32>, vector<16xi32>], vector<16xf32>,
      %gather3A_442 = tpu.vector_load_idx %arg12[%add3A_245, %add3A_440] : memref<512x32xf32, #tpu.memory_space<vmem>>[vector<16xi32>, vector<16xi32>], vector<16xf32>,
      %mul3A_443 = arith.mulf %gather3A_441, %gather3A_442 : vector<16xf32>
      %add3A_444 = arith.addf %add3A_437, %mul3A_443 : vector<16xf32>
      %add3A_445 = arith.constant 28 : i32
      %add3A_446 = vector.broadcast %add3A_445 : i32 to vector<16xi32>
      %add3A_447 = arith.addi %broadcast_in_dim3A_233, %add3A_446 : vector<16xi32>
      %gather3A_448 = tpu.vector_load_idx %arg11[%add3A_245, %add3A_447] : memref<512x32xf32, #tpu.memory_space<vmem>>[vector<16xi32>, vector<16xi32>], vector<16xf32>,
      %gather3A_449 = tpu.vector_load_idx %arg12[%add3A_245, %add3A_447] : memref<512x32xf32, #tpu.memory_space<vmem>>[vector<16xi32>, vector<16xi32>], vector<16xf32>,
      %mul3A_450 = arith.mulf %gather3A_448, %gather3A_449 : vector<16xf32>
      %add3A_451 = arith.addf %add3A_444, %mul3A_450 : vector<16xf32>
      %add3A_452 = arith.constant 29 : i32
      %add3A_453 = vector.broadcast %add3A_452 : i32 to vector<16xi32>
      %add3A_454 = arith.addi %broadcast_in_dim3A_233, %add3A_453 : vector<16xi32>
      %gather3A_455 = tpu.vector_load_idx %arg11[%add3A_245, %add3A_454] : memref<512x32xf32, #tpu.memory_space<vmem>>[vector<16xi32>, vector<16xi32>], vector<16xf32>,
      %gather3A_456 = tpu.vector_load_idx %arg12[%add3A_245, %add3A_454] : memref<512x32xf32, #tpu.memory_space<vmem>>[vector<16xi32>, vector<16xi32>], vector<16xf32>,
      %mul3A_457 = arith.mulf %gather3A_455, %gather3A_456 : vector<16xf32>
      %add3A_458 = arith.addf %add3A_451, %mul3A_457 : vector<16xf32>
      %add3A_459 = arith.constant 30 : i32
      %add3A_460 = vector.broadcast %add3A_459 : i32 to vector<16xi32>
      %add3A_461 = arith.addi %broadcast_in_dim3A_233, %add3A_460 : vector<16xi32>
      %gather3A_462 = tpu.vector_load_idx %arg11[%add3A_245, %add3A_461] : memref<512x32xf32, #tpu.memory_space<vmem>>[vector<16xi32>, vector<16xi32>], vector<16xf32>,
      %gather3A_463 = tpu.vector_load_idx %arg12[%add3A_245, %add3A_461] : memref<512x32xf32, #tpu.memory_space<vmem>>[vector<16xi32>, vector<16xi32>], vector<16xf32>,
      %mul3A_464 = arith.mulf %gather3A_462, %gather3A_463 : vector<16xf32>
      %add3A_465 = arith.addf %add3A_458, %mul3A_464 : vector<16xf32>
      %add3A_466 = arith.constant 31 : i32
      %add3A_467 = vector.broadcast %add3A_466 : i32 to vector<16xi32>
      %add3A_468 = arith.addi %broadcast_in_dim3A_233, %add3A_467 : vector<16xi32>
      %gather3A_469 = tpu.vector_load_idx %arg11[%add3A_245, %add3A_468] : memref<512x32xf32, #tpu.memory_space<vmem>>[vector<16xi32>, vector<16xi32>], vector<16xf32>,
      %gather3A_470 = tpu.vector_load_idx %arg12[%add3A_245, %add3A_468] : memref<512x32xf32, #tpu.memory_space<vmem>>[vector<16xi32>, vector<16xi32>], vector<16xf32>,
      %mul3A_471 = arith.mulf %gather3A_469, %gather3A_470 : vector<16xf32>
      %add3A_472 = arith.addf %add3A_465, %mul3A_471 : vector<16xf32>
      %swap3A = arith.index_cast %mul3A_241 : i32 to index
      %swap3A_473 = tpu.vector_load %arg15[%swap3A] {strides = array<i32>} : memref<512xf32, #tpu.memory_space<vmem>>, vector<16xf32>,
      tpu.vector_store %arg15[%swap3A], %add3A_472 {strides = array<i32>} : memref<512xf32, #tpu.memory_space<vmem>>, vector<16xf32>,
    }
    %scan3A_238 = arith.constant 32 : i32
    "tpu.region"() ({
      %run_scoped3A = tpu.sem_alloc : memref<!tpu.dma_semaphore, #tpu.memory_space<semaphore_mem>>
      %dma_start3A_239 = tpu.memref_slice %arg8[%mul3A_2] : memref<16384xf32, #tpu.memory_space<hbm>> -> memref<512xf32, #tpu.memory_space<hbm>>
      %dma_start3A_240 = tpu.memref_slice %arg8[%mul3A_2] : memref<16384xf32, #tpu.memory_space<hbm>> -> memref<512xf32, #tpu.memory_space<hbm>>
      tpu.enqueue_dma source(%arg15 : memref<512xf32, #tpu.memory_space<vmem>>) target(%dma_start3A_240 : memref<512xf32, #tpu.memory_space<hbm>>) target_semaphore(%run_scoped3A : memref<!tpu.dma_semaphore, #tpu.memory_space<semaphore_mem>>)
      %dma_wait3A_241 = tpu.memref_slice %arg8[%mul3A_2] : memref<16384xf32, #tpu.memory_space<hbm>> -> memref<512xf32, #tpu.memory_space<hbm>>
      %dma_wait3A_242 = tpu.memref_slice %arg8[%mul3A_2] : memref<16384xf32, #tpu.memory_space<hbm>> -> memref<512xf32, #tpu.memory_space<hbm>>
      tpu.wait_dma2 semaphore(%run_scoped3A : memref<!tpu.dma_semaphore, #tpu.memory_space<semaphore_mem>>) src(%arg15 : memref<512xf32, #tpu.memory_space<vmem>>) dst(%dma_wait3A_242 : memref<512xf32, #tpu.memory_space<hbm>>)
      tpu.yield
    }) : () -> ()
    return
  }
}

</mosaic_0001>

<sc_bundles>
// kernel: kernel.3.cloned.1.call-start
scs
__scs_entry_jumppad:
0x0: {  	(pc) =	sbr.rel $0x88, $3  }
0x1: {  	(tag) =	ssettag $0x0;
	lr =	simm.s32 $0x1  }
0x2: {  	[smem:$0x3F9B] =	sst lr;
	_ =	strace $0xD0000000  }
0x3: {  	_ = 	snop  }
0x4: {  	_ = 	snop  }
0x5: {  	_ = 	snop  }
0x6: {  	_ = 	snop  }
0x7: {  	_ = 	snop  }
__scs_overlays_trampoline_lowered:
0x8: {  	[smem:$0x3FAA] =	sst s0  }
0x9: {  	[smem:$0x3FAB] =	sst s1  }
0xa: {  	[smem:$0x3FAC] =	sst s2  }
0xb: {  	[smem:$0x3FAD] =	sst s3  }
0xc: {  	[smem:$0x3FAE] =	sst s4  }
0xd: {  	[smem:$0x3FAF] =	sst s5  }
0xe: {  	[smem:$0x3FB0] =	sst s6  }
0xf: {  	[smem:$0x3FB1] =	sst s7  }
0x10: {  	[smem:$0x3FB2] =	sst s8  }
0x11: {  	[smem:$0x3FB3] =	sst s9;
	s0 =	simm.s32 @!p0 $0x0  }
0x12: {  	s1 =	sld [smem:$0x3F99];
	s0 =	simm.s32 @p0 $0x1  }
0x13: {  	[smem:$0x3FB4] =	sst s0;
	s0 =	simm.s32 @!p1 $0x0  }
0x14: {  	s2 =	sld [smem:$0x3F98];
	s0 =	simm.s32 @p1 $0x1  }
0x15: {  	[smem:$0x3FB5] =	sst s0;
	s0 =	simm.s32 @!p2 $0x0  }
0x16: {  	s3 =	sld [smem:$0x3FDB];
	s0 =	simm.s32 @p2 $0x1  }
0x17: {  	s4 =	simm.s32 $0x1BF5;
	[smem:$0x3FB7] =	sst s0  }
0x18: {  	s0 =	sld [smem:$0x3F9A];
	_ =	swait.ge [sflag:s4], $0x0  }
0x19: {  	s7 =	sld [smem:$0x3F9B]  }
0x1a: {  	s8 =	sadd.s32 $0xFFFFE003, lr  }
0x1b: {  	s9 =	sadd.s32 $0xFFFFFEF7, lr;
	s5 =	simm.s32 $0xFFFFFFFF;
	p2 =	slt.u32 s8, $0xFFFFF086  }
0x1c: {  	p1 =	slt.u32 s9, $0xF7A;
	s5 =	simm.s32 @!p2 $0x0  }
0x1d: {  	s5 =	simm.s32 @p1 $0x1;
	p0 =	seq.s32 s7, s2  }
0x1e: {  	s7 =	smul.u32 @!p0 $0xF7A, s2;
	p2 =	seq.s32 @!p0 s5, $0x0  }
0x1f: {  	s9 =	smul.u32 $0xF7A, s1;
	s8 =	simm.s32 @!p0 $0x1BF5;
	p2 =	por !p2, p0  }
0x20: {  	[sflag:s8] =	ssyncset.s32 @!p0 $0xFFFFF086;
	s6 =	sadd.s32 @!p0 s3, s7;
	s7 =	simm.s32 @!p0 $0x108  }
0x21: {  	s3 =	sadd.s32 s3, s9;
	s6 =	sadd.s32 @!p0 $0x88, s6;
	s7 =	simm.s32 @p2 $0x1082  }
0x22: {  	[simem:s7], [sflag:s8] =	dma.local @!p0 [hbm:s6], $0xF7A  }
0x23: {  	s9 =	sor.u32 $0xD0000000, s2;
	s6 =	simm.s32 $0x108;
	_ =	swait.ge @!p0 [sflag:s8], $0x0  }
0x24: {  	s3 =	sadd.s32 $0x88, s3;
	s6 =	simm.s32 @!p1 $0x1082;
	[sflag:s4] =	ssyncset.s32 $0xFFFFF086  }
0x25: {  	[simem:s6], [sflag:s4] =	dma.local [hbm:s3], $0xF7A  }
0x26: {  	[smem:$0x3F9B] =	sst s1;
	(tag) =	ssettag s2;
	_ =	strace s9  }
0x27: {  	s1 =	sld [smem:$0x3FAB]  }
0x28: {  	s2 =	sld [smem:$0x3FAC]  }
0x29: {  	s4 =	sld [smem:$0x3FAE]  }
0x2a: {  	p0 =	seq.s32 s5, $0x0;
	s5 =	sld [smem:$0x3FAF]  }
0x2b: {  	s6 =	sld [smem:$0x3FB0]  }
0x2c: {  	s7 =	sld [smem:$0x3FB1]  }
0x2d: {  	s3 =	simm.s32 $0x108;
	s8 =	sld [smem:$0x3FB2]  }
0x2e: {  	s3 =	simm.s32 @!p0 $0x1082;
	s9 =	sld [smem:$0x3FB3]  }
0x2f: {  	lr =	sadd.s32 s0, s3;
	s0 =	sld [smem:$0x3FAA]  }
0x30: {  	s3 =	sld [smem:$0x3FAD]  }
0x31: {  	[smem:$0x3FB6] =	sst s10  }
0x32: {  	s10 =	sld [smem:$0x3FB4];
	_ =	sdelay $0x3  }
0x33: {  	p0 =	seq.s32 s10, $0x1;
	s10 =	sld [smem:$0x3FB6];
	_ =	sdelay $0x3  }
0x34: {  	[smem:$0x3FB6] =	sst s10  }
0x35: {  	s10 =	sld [smem:$0x3FB5];
	_ =	sdelay $0x3  }
0x36: {  	p1 =	seq.s32 s10, $0x1;
	s10 =	sld [smem:$0x3FB6];
	_ =	sdelay $0x3  }
0x37: {  	[smem:$0x3FB6] =	sst s10  }
0x38: {  	s10 =	sld [smem:$0x3FB7]  }
0x39: {  	_ = 	snop;
	(pc) =	sbr.ind lr, $3  }
0x3a: {  	_ = 	snop  }
0x3b: {  	_ = 	snop  }
0x3c: {  	p2 =	seq.s32 s10, $0x1;
	s10 =	sld [smem:$0x3FB6]  }
0x3d: {  	_ =	shalt  }
0x3e: {  	_ =	shalt  }
0x3f: {  	_ =	shalt  }
0x40: {  	_ =	shalt  }
0x41: {  	_ =	shalt  }
0x42: {  	_ =	shalt  }
0x43: {  	_ =	shalt  }
0x44: {  	_ =	shalt  }
0x45: {  	_ =	shalt  }
0x46: {  	_ =	shalt  }
0x47: {  	_ =	shalt  }
0x48: {  	_ =	shalt  }
0x49: {  	_ =	shalt  }
0x4a: {  	_ =	shalt  }
0x4b: {  	_ =	shalt  }
0x4c: {  	_ =	shalt  }
0x4d: {  	_ =	shalt  }
0x4e: {  	_ =	shalt  }
0x4f: {  	_ =	shalt  }
0x50: {  	_ =	shalt  }
0x51: {  	_ =	shalt  }
0x52: {  	_ =	shalt  }
0x53: {  	_ =	shalt  }
0x54: {  	_ =	shalt  }
0x55: {  	_ =	shalt  }
0x56: {  	_ =	shalt  }
0x57: {  	_ =	shalt  }
0x58: {  	_ =	shalt  }
0x59: {  	_ =	shalt  }
0x5a: {  	_ =	shalt  }
0x5b: {  	_ =	shalt  }
0x5c: {  	_ =	shalt  }
0x5d: {  	_ =	shalt  }
0x5e: {  	_ =	shalt  }
0x5f: {  	_ =	shalt  }
0x60: {  	_ =	shalt  }
0x61: {  	_ =	shalt  }
0x62: {  	_ =	shalt  }
0x63: {  	_ =	shalt  }
0x64: {  	_ =	shalt  }
0x65: {  	_ =	shalt  }
0x66: {  	_ =	shalt  }
0x67: {  	_ =	shalt  }
0x68: {  	_ =	shalt  }
0x69: {  	_ =	shalt  }
0x6a: {  	_ =	shalt  }
0x6b: {  	_ =	shalt  }
0x6c: {  	_ =	shalt  }
0x6d: {  	_ =	shalt  }
0x6e: {  	_ =	shalt  }
0x6f: {  	_ =	shalt  }
0x70: {  	_ =	shalt  }
0x71: {  	_ =	shalt  }
0x72: {  	_ =	shalt  }
0x73: {  	_ =	shalt  }
0x74: {  	_ =	shalt  }
0x75: {  	_ =	shalt  }
0x76: {  	_ =	shalt  }
0x77: {  	_ =	shalt  }
0x78: {  	_ =	shalt  }
0x79: {  	_ =	shalt  }
0x7a: {  	_ =	shalt  }
0x7b: {  	_ =	shalt  }
0x7c: {  	_ =	shalt  }
0x7d: {  	_ =	shalt  }
0x7e: {  	_ =	shalt  }
0x7f: {  	_ =	shalt  }
0x80: {  	_ =	shalt  }
0x81: {  	_ =	shalt  }
0x82: {  	_ =	shalt  }
0x83: {  	_ =	shalt  }
0x84: {  	_ =	shalt  }
0x85: {  	_ =	shalt  }
0x86: {  	_ =	shalt  }
0x87: {  	_ =	shalt  }
.Lfunc_end0:
.L_simem_size_0:
called_computation_lowered:
.L_overlay_start_0:
0x88: {  	s2 =	sld [smem:$0x3FD9]  }
0x89: {  	s3 =	sld [smem:$0x3FFE];
	_ =	sdelay $0x1  }
0x8a: {  	s1 =	srdreg.scid  }
0x8b: {  	s0 =	sand.u32 $0x1, s1  }
0x8c: {  	s17 =	sshll.u32 s0, $0xA;
	s2 =	sadd.s32 s3, s2  }
0x8d: {  	s2 =	sadd.s32 s2, s17  }
0x8e: {  	[smem:$0x3FC2] =	sst s2  }
0x8f: {  	_ = 	snop  }
0x90: {  	s2 =	sld [smem:$0x3FC9]  }
0x91: {  	s18 =	sld [smem:$0x3FC8]  }
0x92: {  	s4 =	sld [smem:$0x3FD0];
	(tm) =	ssettm $0x1  }
0x93: {  	s5 =	sld [smem:$0x3FFB];
	_ =	sdelay $0x3  }
0x94: {  	_ =	strace s5  }
0x95: {  	s5 =	sld [smem:$0x3FFC];
	_ =	sdelay $0x3  }
0x96: {  	_ =	strace s5  }
0x97: {  	s5 =	sld [smem:$0x3FFD];
	_ =	sdelay $0x3  }
0x98: {  	_ =	strace s5  }
0x99: {  	_ =	strace $0x8FFFFFFF  }
0x9a: {  	s19 =	sld [smem:$0x3FDB];
	_ =	sdelay $0x1  }
0x9b: {  	s6 =	simm.s32 $_scs_section_size  }
0x9c: {  	s7 =	simm.s32 $_size__tile_overlayer_lowered;
	s8 =	simm.s32 $_tile_overlayer_lowered  }
0x9d: {  	s22 =	simm.s32 $0x1BFF;
	s21 =	sshll.u32 s8, $0x1;
	s5 =	sadd.s32 s6, s19  }
0x9e: {  	s9 =	simm.s32 $0x0;
	s20 =	sshll.u32 s7, $0x1;
	s7 =	sadd.s32 s21, s5  }
0x9f: {  	[timem:s9], [sflag:s22] =	dma.local [hbm:s7], s20  }
0xa0: {  	_ =	swait.ge [sflag:s22], s20  }
0xa1: {  	s6 =	ssub.s32 $0x0, s20;
	[sflag:s22] =	ssyncset.done $0x0  }
0xa2: {  	[sflag:s22] =	ssyncadd.s32 s6;
	_ =	sdelay $0x1  }
0xa3: {  	s23 =	simm.s32 $0x1B8B  }
0xa4: {  	_ =	swait.ge [sflag:s23], $0x1  }
0xa5: {  	[sflag:s23] =	ssyncset.done $0x0  }
0xa6: {  	s25 =	simm.s32 $0x1B8E;
	s24 =	sld [smem:$0x3FFE];
	[sflag:s23] =	ssyncadd.s32 $0xFFFFFFFF  }
0xa7: {  	s26 =	simm.s32 $execute0_lowered;
	[smem:$0x3FD2] =	sst s25  }
0xa8: {  	s7 =	sshll.u32 s26, $0x1;
	_ =	strace $0x80000046;
	[dreg:$0x1] =	wrdreg $0xFFFFFFFF  }
0xa9: {  	s28 =	simm.s32 $_size_execute0_lowered;
	s5 =	sadd.s32 s5, s7;
	[dreg:$0x0] =	wrdreg $0x0  }
0xaa: {  	s7 =	sshll.u32 s28, $0x1;
	[dreg:$0x2] =	wrdreg s5  }
0xab: {  	[dreg:$0x3] =	wrdreg s7  }
0xac: {  	[dreg:$0x4] =	wrdreg $0xC0  }
0xad: {  	_ =	task [dreg:s9], $0x5FFFF  }
0xae: {  	[dreg:$0x1] =	wrdreg $0xFFFFFFFF  }
0xaf: {  	[dreg:$0x0] =	wrdreg $0x60  }
0xb0: {  	[dreg:$0x2] =	wrdreg s2  }
0xb1: {  	[dreg:$0x3] =	wrdreg s18  }
0xb2: {  	[dreg:$0x4] =	wrdreg s24  }
0xb3: {  	[dreg:$0x5] =	wrdreg s4  }
0xb4: {  	[dreg:$0x6] =	wrdreg $0x9  }
0xb5: {  	_ =	task.clear_ibuf [dreg:s9], $0x7FFFF;
	_ =	strace $0x90000046  }
0xb6: {  	s29 =	simm.s32 $0x9;
	_ =	strace $0x80000048  }
0xb7: {  	_ =	swait.ge [sflag:s29], $0x1  }
0xb8: {  	[sflag:s29] =	ssyncadd.s32 $0xFFFFFFFF  }
0xb9: {  	_ =	strace $0x90000048  }
0xba: {  	_ =	sfence  }
0xbb: {  	s30 =	sld [smem:$0x0];
	_ =	sdelay $0x2  }
0xbc: {  	s31 =	sshll.u32 s1, $0xD;
	s1 =	sshrl.u32 s1, $0x2  }
0xbd: {  	s3 =	sand.u32 $0x4000, s31;
	s1 =	sadd.s32 s1, s30  }
0xbe: {  	s0 =	sor.u32 s3, s0;
	s1 =	sshll.u32 s1, $0x11  }
0xbf: {  	s0 =	sor.u32 s1, s0  }
0xc0: {  	s0 =	sadd.s32 $0x8F2B, s0  }
0xc1: {  	[sflag:s0] =	ssyncadd.remote.s32 $0x1  }
0xc2: {  	_ =	sfence.sel $0xFFFF  }
0xc3: {  	[dreg:$0x0] =	wrdreg $0xFFFFFFFF;
	(pc) =	sbr.abs _section_cstart, $3  }
0xc4: {  	[dreg:$0x1] =	wrdreg $0xFFFFFFFF  }
0xc5: {  	_ =	task.clear_ibuf [dreg:s9], $0x2FFFF;
	_ =	strace $0x9FFFFFFF  }
0xc6: {  	(tm) =	ssettm $0x7FFFFFFF  }
0xc7: {  	_ =	shalt  }
tec
execute0_lowered:
.L_overlay_start_1:
0x0: {  	(tag) =	ssettag $0x1  }
0x1: {  	s0 =	rddreg [dreg:$0x0]  }
0x2: {  	s3 =	rddreg [dreg:$0x1]  }
0x3: {  	s1 =	rddreg [dreg:$0x2]  }
0x4: {  	s9 =	rddreg [dreg:$0x3];
	s2 =	simm.s32 $0x0  }
0x5: {  	s6 =	srdreg.scid;
	s8 =	stileid.u32;
	s12 =	simm.s32 $0x1  }
0x6: {  	s13 =	simm.s32 $0x80;
	s14 =	simm.s32 $0x400;
	s15 =	simm.s32 $0x4400  }
0x7: {  	s17 =	simm.s32 $0x280;
	s21 =	simm.s32 $0x100;
	s23 =	simm.s32 $0x300  }
0x8: {  	s26 =	simm.s32 $0x8700;
	s28 =	simm.s32 $0x180;
	s29 =	simm.s32 $0x3400  }
0x9: {  	s30 =	simm.s32 $0x380;
	s31 =	simm.s32 $0x7400;
	s16 =	simm.s32 $0x8800  }
0xa: {  	s18 =	simm.s32 $0x2;
	s19 =	simm.s32 $0x0;
	[smem:$0x7FF] =	sst s2  }
0xb: {  	s4 =	sadd.s32 $0x1312E00, s1;
	s5 =	sadd.s32 $0x1EA00, s1;
	s6 =	sand.u32 $0x1, s6  }
0xc: {  	s8 =	sshll.u32 s8, $0x7;
	s7 =	ssub.s32 $0x2, s6;
	s10 =	sshll.u32 s6, $0x6  }
0xd: {  	_ =	strace $0x80000047;
	s11 =	sshrl.u32 s7, $0x1;
	s10 =	sor.u32 s10, s8  }
0xe: {  	s6 =	sadd.s32 $0xF42400, s1;
	s11 =	ssub.s32 s7, s11;
	s7 =	sadd.s32 s0, s10  }
0xf: {  	v0 =	vlaneseq.u32;
	s8 =	sadd.s32 s3, s10;
	s9 =	sadd.s32 s9, s10;
	s0 =	simm.s32 $0x8580  }
0x10: {  	v0 =	vmul.u32 $0x20, v0;
	s3 =	simm.s32 $0x8780;
	s10 =	smax.u32 s11, $0x1;
	s11 =	simm.s32 $0x200  }
.LBB2_1:
0x11: {  	[tilespmem:s2], [sflag:$0x1] =	stream.linear.gather [hbm4b:s7+s2], $0x200, $0x38;
	[tilespmem:$0x8A00] =	vst v63  }
0x12: {  	_ = 	snop  }
0x13: {  	[tilespmem:s11], [sflag:$0x1] =	stream.linear.gather [hbm4b:s8+s2], $0x200, $0x38;
	[tilespmem:$0x8A00] =	vst v63  }
0x14: {  	_ =	swait.ge [sflag:s12], $0x200  }
0x15: {  	[sflag:s12] =	ssyncset.done $0x0  }
0x16: {  	[sflag:s12] =	ssyncadd.s32 $0xFFFFFE00  }
0x17: {  	_ =	swait.ge [sflag:s12], $0x200  }
0x18: {  	[sflag:s12] =	ssyncset.done $0x0  }
0x19: {  	[sflag:s12] =	ssyncadd.s32 $0xFFFFFE00  }
0x1a: {  	[tilespmem:s14], [sflag:$0x1] =	stream.indirect.gather [hbm4b:s4+s13], $0x20, s2, s13, $0xb8;
	[tilespmem:$0x8A00] =	vst v63  }
0x1b: {  	_ = 	snop  }
0x1c: {  	[tilespmem:s15], [sflag:$0x1] =	stream.indirect.gather [hbm4b:s6+s13], $0x20, s11, s13, $0xb8;
	[tilespmem:$0x8A00] =	vst v63  }
0x1d: {  	s20 =	simm.s32 $0x8400  }
0x1e: {  	[tilespmem:s20], [sflag:$0x1] =	stream.indirect.gather [hbm4b:s5+s13], $0x1, s2, s13, $0xb8;
	[tilespmem:$0x8A00] =	vst v63  }
0x1f: {  	s22 =	simm.s32 $0x8600  }
0x20: {  	[tilespmem:s22], [sflag:$0x1] =	stream.indirect.gather [hbm4b:s1+s13], $0x1, s11, s13, $0xb8;
	[tilespmem:$0x8A00] =	vst v63  }
0x21: {  	s24 =	simm.s32 $0x1400  }
0x22: {  	[tilespmem:s24], [sflag:$0x1] =	stream.indirect.gather [hbm4b:s4+s13], $0x20, s13, s13, $0xb8;
	[tilespmem:$0x8A00] =	vst v63  }
0x23: {  	s25 =	simm.s32 $0x5400  }
0x24: {  	[tilespmem:s25], [sflag:$0x1] =	stream.indirect.gather [hbm4b:s6+s13], $0x20, s17, s13, $0xb8;
	[tilespmem:$0x8A00] =	vst v63  }
0x25: {  	s25 =	simm.s32 $0x8480  }
0x26: {  	[tilespmem:s25], [sflag:$0x1] =	stream.indirect.gather [hbm4b:s5+s13], $0x1, s13, s13, $0xb8;
	[tilespmem:$0x8A00] =	vst v63  }
0x27: {  	s25 =	simm.s32 $0x8680  }
0x28: {  	[tilespmem:s25], [sflag:$0x1] =	stream.indirect.gather [hbm4b:s1+s13], $0x1, s17, s13, $0xb8;
	[tilespmem:$0x8A00] =	vst v63  }
0x29: {  	s25 =	simm.s32 $0x2400  }
0x2a: {  	[tilespmem:s25], [sflag:$0x1] =	stream.indirect.gather [hbm4b:s4+s13], $0x20, s21, s13, $0xb8;
	[tilespmem:$0x8A00] =	vst v63  }
0x2b: {  	s25 =	simm.s32 $0x6400  }
0x2c: {  	[tilespmem:s25], [sflag:$0x1] =	stream.indirect.gather [hbm4b:s6+s13], $0x20, s23, s13, $0xb8;
	[tilespmem:$0x8A00] =	vst v63  }
0x2d: {  	s25 =	simm.s32 $0x8500  }
0x2e: {  	[tilespmem:s25], [sflag:$0x1] =	stream.indirect.gather [hbm4b:s5+s13], $0x1, s21, s13, $0xb8;
	[tilespmem:$0x8A00] =	vst v63  }
0x2f: {  	_ = 	snop  }
0x30: {  	[tilespmem:s26], [sflag:$0x1] =	stream.indirect.gather [hbm4b:s1+s13], $0x1, s23, s13, $0xb8;
	[tilespmem:$0x8A00] =	vst v63  }
0x31: {  	_ = 	snop  }
0x32: {  	[tilespmem:s29], [sflag:$0x1] =	stream.indirect.gather [hbm4b:s4+s13], $0x20, s28, s13, $0xb8;
	[tilespmem:$0x8A00] =	vst v63  }
0x33: {  	_ = 	snop  }
0x34: {  	[tilespmem:s31], [sflag:$0x1] =	stream.indirect.gather [hbm4b:s6+s13], $0x20, s30, s13, $0xb8;
	[tilespmem:$0x8A00] =	vst v63  }
0x35: {  	_ = 	snop  }
0x36: {  	[tilespmem:s0], [sflag:$0x1] =	stream.indirect.gather [hbm4b:s5+s13], $0x1, s28, s13, $0xb8;
	[tilespmem:$0x8A00] =	vst v63  }
0x37: {  	_ = 	snop  }
0x38: {  	[tilespmem:s3], [sflag:$0x1] =	stream.indirect.gather [hbm4b:s1+s13], $0x1, s30, s13, $0xb8;
	[tilespmem:$0x8A00] =	vst v63  }
0x39: {  	_ =	swait.ge [sflag:s12], $0x1000  }
0x3a: {  	[sflag:s12] =	ssyncset.done $0x0  }
0x3b: {  	[sflag:s12] =	ssyncadd.s32 $0xFFFFF000  }
0x3c: {  	_ =	swait.ge [sflag:s12], $0x1000  }
0x3d: {  	[sflag:s12] =	ssyncset.done $0x0  }
0x3e: {  	[sflag:s12] =	ssyncadd.s32 $0xFFFFF000  }
0x3f: {  	_ =	swait.ge [sflag:s12], $0x80  }
0x40: {  	[sflag:s12] =	ssyncset.done $0x0  }
0x41: {  	[sflag:s12] =	ssyncadd.s32 $0xFFFFFF80  }
0x42: {  	_ =	swait.ge [sflag:s12], $0x80  }
0x43: {  	[sflag:s12] =	ssyncset.done $0x0  }
0x44: {  	[sflag:s12] =	ssyncadd.s32 $0xFFFFFF80  }
0x45: {  	_ =	swait.ge [sflag:s12], $0x1000  }
0x46: {  	[sflag:s12] =	ssyncset.done $0x0  }
0x47: {  	[sflag:s12] =	ssyncadd.s32 $0xFFFFF000  }
0x48: {  	_ =	swait.ge [sflag:s12], $0x1000  }
0x49: {  	[sflag:s12] =	ssyncset.done $0x0  }
0x4a: {  	[sflag:s12] =	ssyncadd.s32 $0xFFFFF000  }
0x4b: {  	_ =	swait.ge [sflag:s12], $0x80  }
0x4c: {  	[sflag:s12] =	ssyncset.done $0x0  }
0x4d: {  	[sflag:s12] =	ssyncadd.s32 $0xFFFFFF80  }
0x4e: {  	_ =	swait.ge [sflag:s12], $0x80  }
0x4f: {  	[sflag:s12] =	ssyncset.done $0x0  }
0x50: {  	[sflag:s12] =	ssyncadd.s32 $0xFFFFFF80  }
0x51: {  	_ =	swait.ge [sflag:s12], $0x1000  }
0x52: {  	[sflag:s12] =	ssyncset.done $0x0  }
0x53: {  	[sflag:s12] =	ssyncadd.s32 $0xFFFFF000  }
0x54: {  	_ =	swait.ge [sflag:s12], $0x1000  }
0x55: {  	[sflag:s12] =	ssyncset.done $0x0  }
0x56: {  	[sflag:s12] =	ssyncadd.s32 $0xFFFFF000  }
0x57: {  	_ =	swait.ge [sflag:s12], $0x80  }
0x58: {  	[sflag:s12] =	ssyncset.done $0x0  }
0x59: {  	[sflag:s12] =	ssyncadd.s32 $0xFFFFFF80  }
0x5a: {  	_ =	swait.ge [sflag:s12], $0x80  }
0x5b: {  	[sflag:s12] =	ssyncset.done $0x0  }
0x5c: {  	[sflag:s12] =	ssyncadd.s32 $0xFFFFFF80  }
0x5d: {  	_ =	swait.ge [sflag:s12], $0x1000  }
0x5e: {  	[sflag:s12] =	ssyncset.done $0x0  }
0x5f: {  	[sflag:s12] =	ssyncadd.s32 $0xFFFFF000  }
0x60: {  	_ =	swait.ge [sflag:s12], $0x1000  }
0x61: {  	[sflag:s12] =	ssyncset.done $0x0  }
0x62: {  	[sflag:s12] =	ssyncadd.s32 $0xFFFFF000  }
0x63: {  	v1 =	vmov s2;
	_ =	swait.ge [sflag:s12], $0x80  }
0x64: {  	v1 =	vshll.u32 v1, $0x5;
	[sflag:s12] =	ssyncset.done $0x0  }
0x65: {  	v1 =	vor.u32 v0, v1;
	[sflag:s12] =	ssyncadd.s32 $0xFFFFFF80  }
0x66: {  	_ =	swait.ge [sflag:s12], $0x80  }
0x67: {  	[sflag:s12] =	ssyncset.done $0x0  }
0x68: {  	v2 =	vor.u32 $0x1, v1;
	[sflag:s12] =	ssyncadd.s32 $0xFFFFFF80  }
0x69: {  	v3 =	vld [tilespmem:s22+$0x0]  }
0x6a: {  	v4 =	vor.u32 $0x2, v1;
	v5 =	vld.idx.msk [tilespmem:v1+s14+$0x0], $0xffff  }
0x6b: {  	v6 =	vld.idx.msk [tilespmem:v1+s15+$0x0], $0xffff  }
0x6c: {  	v7 =	vor.u32 $0x3, v1;
	v8 =	vld [tilespmem:s20+$0x0]  }
0x6d: {  	v9 =	vld.idx.msk [tilespmem:v2+s14+$0x0], $0xffff  }
0x6e: {  	v10 =	vor.u32 $0x4, v1;
	v2 =	vld.idx.msk [tilespmem:v2+s15+$0x0], $0xffff  }
0x6f: {  	v11 =	vld.idx.msk [tilespmem:v4+s14+$0x0], $0xffff  }
0x70: {  	v12 =	vor.u32 $0x5, v1;
	v4 =	vld.idx.msk [tilespmem:v4+s15+$0x0], $0xffff  }
0x71: {  	v13 =	vld.idx.msk [tilespmem:v7+s14+$0x0], $0xffff;
	v3 =	vadd.f32 v3, v8;
	v5 =	vmul.f32 v6, v5  }
0x72: {  	v6 =	vld.idx.msk [tilespmem:v7+s15+$0x0], $0xffff;
	v7 =	vor.u32 $0x6, v1  }
0x73: {  	v20 =	vld.idx.msk [tilespmem:v10+s14+$0x0], $0xffff;
	v2 =	vmul.f32 v2, v9;
	v3 =	vadd.f32 v5, v3  }
0x74: {  	v21 =	vor.u32 $0x7, v1;
	v5 =	vld.idx.msk [tilespmem:v10+s15+$0x0], $0xffff  }
0x75: {  	v22 =	vld.idx.msk [tilespmem:v12+s14+$0x0], $0xffff;
	v2 =	vadd.f32 v2, v3;
	v3 =	vmul.f32 v4, v11  }
0x76: {  	v23 =	vor.u32 $0x8, v1;
	v4 =	vld.idx.msk [tilespmem:v12+s15+$0x0], $0xffff  }
0x77: {  	v24 =	vld.idx.msk [tilespmem:v7+s14+$0x0], $0xffff;
	v2 =	vadd.f32 v3, v2;
	v3 =	vmul.f32 v6, v13  }
0x78: {  	v6 =	vld.idx.msk [tilespmem:v7+s15+$0x0], $0xffff;
	v7 =	vor.u32 $0x9, v1  }
0x79: {  	v25 =	vld.idx.msk [tilespmem:v21+s14+$0x0], $0xffff;
	v2 =	vadd.f32 v3, v2;
	v3 =	vmul.f32 v5, v20  }
0x7a: {  	v26 =	vor.u32 $0xA, v1;
	v5 =	vld.idx.msk [tilespmem:v21+s15+$0x0], $0xffff  }
0x7b: {  	v27 =	vld.idx.msk [tilespmem:v23+s14+$0x0], $0xffff;
	v2 =	vadd.f32 v3, v2;
	v3 =	vmul.f32 v4, v22  }
0x7c: {  	v28 =	vor.u32 $0xB, v1;
	v4 =	vld.idx.msk [tilespmem:v23+s15+$0x0], $0xffff  }
0x7d: {  	v29 =	vld.idx.msk [tilespmem:v7+s14+$0x0], $0xffff;
	v2 =	vadd.f32 v3, v2;
	v3 =	vmul.f32 v6, v24  }
0x7e: {  	v6 =	vld.idx.msk [tilespmem:v7+s15+$0x0], $0xffff;
	v7 =	vor.u32 $0xC, v1  }
0x7f: {  	v30 =	vld.idx.msk [tilespmem:v26+s14+$0x0], $0xffff;
	v2 =	vadd.f32 v3, v2;
	v3 =	vmul.f32 v5, v25  }
0x80: {  	v31 =	vor.u32 $0xD, v1;
	v5 =	vld.idx.msk [tilespmem:v26+s15+$0x0], $0xffff  }
0x81: {  	v32 =	vld.idx.msk [tilespmem:v28+s14+$0x0], $0xffff;
	v2 =	vadd.f32 v3, v2;
	v3 =	vmul.f32 v4, v27  }
0x82: {  	v33 =	vor.u32 $0xE, v1;
	v4 =	vld.idx.msk [tilespmem:v28+s15+$0x0], $0xffff  }
0x83: {  	v34 =	vld.idx.msk [tilespmem:v7+s14+$0x0], $0xffff;
	v2 =	vadd.f32 v3, v2;
	v3 =	vmul.f32 v6, v29  }
0x84: {  	v6 =	vld.idx.msk [tilespmem:v7+s15+$0x0], $0xffff;
	v7 =	vor.u32 $0xF, v1  }
0x85: {  	v35 =	vld.idx.msk [tilespmem:v31+s14+$0x0], $0xffff;
	v2 =	vadd.f32 v3, v2;
	v3 =	vmul.f32 v5, v30  }
0x86: {  	v36 =	vor.u32 $0x10, v1;
	v5 =	vld.idx.msk [tilespmem:v31+s15+$0x0], $0xffff  }
0x87: {  	v37 =	vld.idx.msk [tilespmem:v33+s14+$0x0], $0xffff;
	v2 =	vadd.f32 v3, v2;
	v3 =	vmul.f32 v4, v32  }
0x88: {  	v38 =	vor.u32 $0x11, v1;
	v4 =	vld.idx.msk [tilespmem:v33+s15+$0x0], $0xffff  }
0x89: {  	v39 =	vld.idx.msk [tilespmem:v7+s14+$0x0], $0xffff;
	v2 =	vadd.f32 v3, v2;
	v3 =	vmul.f32 v6, v34  }
0x8a: {  	v6 =	vld.idx.msk [tilespmem:v7+s15+$0x0], $0xffff;
	v7 =	vor.u32 $0x12, v1  }
0x8b: {  	v40 =	vld.idx.msk [tilespmem:v36+s14+$0x0], $0xffff;
	v2 =	vadd.f32 v3, v2;
	v3 =	vmul.f32 v5, v35  }
0x8c: {  	v41 =	vor.u32 $0x13, v1;
	v5 =	vld.idx.msk [tilespmem:v36+s15+$0x0], $0xffff  }
0x8d: {  	v42 =	vld.idx.msk [tilespmem:v38+s14+$0x0], $0xffff;
	v2 =	vadd.f32 v3, v2;
	v3 =	vmul.f32 v4, v37  }
0x8e: {  	v43 =	vor.u32 $0x14, v1;
	v4 =	vld.idx.msk [tilespmem:v38+s15+$0x0], $0xffff  }
0x8f: {  	v44 =	vld.idx.msk [tilespmem:v7+s14+$0x0], $0xffff;
	v2 =	vadd.f32 v3, v2;
	v3 =	vmul.f32 v6, v39  }
0x90: {  	v6 =	vld.idx.msk [tilespmem:v7+s15+$0x0], $0xffff;
	v7 =	vor.u32 $0x15, v1  }
0x91: {  	v45 =	vld.idx.msk [tilespmem:v41+s14+$0x0], $0xffff;
	v2 =	vadd.f32 v3, v2;
	v3 =	vmul.f32 v5, v40  }
0x92: {  	v46 =	vor.u32 $0x16, v1;
	v5 =	vld.idx.msk [tilespmem:v41+s15+$0x0], $0xffff  }
0x93: {  	v47 =	vld.idx.msk [tilespmem:v43+s14+$0x0], $0xffff;
	v2 =	vadd.f32 v3, v2;
	v3 =	vmul.f32 v4, v42  }
0x94: {  	v48 =	vor.u32 $0x17, v1;
	v4 =	vld.idx.msk [tilespmem:v43+s15+$0x0], $0xffff  }
0x95: {  	v49 =	vld.idx.msk [tilespmem:v7+s14+$0x0], $0xffff;
	v2 =	vadd.f32 v3, v2;
	v3 =	vmul.f32 v6, v44  }
0x96: {  	v6 =	vld.idx.msk [tilespmem:v7+s15+$0x0], $0xffff;
	v7 =	vor.u32 $0x18, v1  }
0x97: {  	v50 =	vld.idx.msk [tilespmem:v46+s14+$0x0], $0xffff;
	v2 =	vadd.f32 v3, v2;
	v3 =	vmul.f32 v5, v45  }
0x98: {  	v51 =	vor.u32 $0x19, v1;
	v5 =	vld.idx.msk [tilespmem:v46+s15+$0x0], $0xffff  }
0x99: {  	v52 =	vld.idx.msk [tilespmem:v48+s14+$0x0], $0xffff;
	v2 =	vadd.f32 v3, v2;
	v3 =	vmul.f32 v4, v47  }
0x9a: {  	v53 =	vor.u32 $0x1A, v1;
	v4 =	vld.idx.msk [tilespmem:v48+s15+$0x0], $0xffff  }
0x9b: {  	v54 =	vld.idx.msk [tilespmem:v7+s14+$0x0], $0xffff;
	v2 =	vadd.f32 v3, v2;
	v3 =	vmul.f32 v6, v49  }
0x9c: {  	v6 =	vld.idx.msk [tilespmem:v7+s15+$0x0], $0xffff;
	v7 =	vor.u32 $0x1B, v1  }
0x9d: {  	v55 =	vld.idx.msk [tilespmem:v51+s14+$0x0], $0xffff;
	v2 =	vadd.f32 v3, v2;
	v3 =	vmul.f32 v5, v50  }
0x9e: {  	v56 =	vor.u32 $0x1C, v1;
	v5 =	vld.idx.msk [tilespmem:v51+s15+$0x0], $0xffff  }
0x9f: {  	v57 =	vld.idx.msk [tilespmem:v53+s14+$0x0], $0xffff;
	v2 =	vadd.f32 v3, v2;
	v3 =	vmul.f32 v4, v52  }
0xa0: {  	v58 =	vor.u32 $0x1D, v1;
	v4 =	vld.idx.msk [tilespmem:v53+s15+$0x0], $0xffff  }
0xa1: {  	v59 =	vld.idx.msk [tilespmem:v7+s14+$0x0], $0xffff;
	v2 =	vadd.f32 v3, v2;
	v3 =	vmul.f32 v6, v54  }
0xa2: {  	v6 =	vld.idx.msk [tilespmem:v7+s15+$0x0], $0xffff;
	v7 =	vor.u32 $0x1E, v1  }
0xa3: {  	v60 =	vld.idx.msk [tilespmem:v56+s14+$0x0], $0xffff;
	v2 =	vadd.f32 v3, v2;
	v3 =	vmul.f32 v5, v55  }
0xa4: {  	v1 =	vor.u32 $0x1F, v1;
	v5 =	vld.idx.msk [tilespmem:v56+s15+$0x0], $0xffff  }
0xa5: {  	v61 =	vld.idx.msk [tilespmem:v58+s14+$0x0], $0xffff;
	v2 =	vadd.f32 v3, v2;
	v3 =	vmul.f32 v4, v57  }
0xa6: {  	v4 =	vld.idx.msk [tilespmem:v58+s15+$0x0], $0xffff  }
0xa7: {  	v62 =	vld.idx.msk [tilespmem:v7+s14+$0x0], $0xffff;
	v2 =	vadd.f32 v3, v2;
	v3 =	vmul.f32 v6, v59  }
0xa8: {  	v6 =	vld.idx.msk [tilespmem:v7+s15+$0x0], $0xffff  }
0xa9: {  	v7 =	vld.idx.msk [tilespmem:v1+s14+$0x0], $0xffff;
	v2 =	vadd.f32 v3, v2;
	v3 =	vmul.f32 v5, v60  }
0xaa: {  	v1 =	vld.idx.msk [tilespmem:v1+s15+$0x0], $0xffff  }
0xab: {  	v2 =	vadd.f32 v3, v2;
	v3 =	vmul.f32 v4, v61;
	_ =	sdelay $0x1  }
0xac: {  	s24 =	simm.s32 $0x10;
	v2 =	vadd.f32 v3, v2;
	v3 =	vmul.f32 v6, v62  }
0xad: {  	v4 =	vmov s24  }
0xae: {  	v4 =	vshll.u32 v4, $0x5;
	v2 =	vadd.f32 v3, v2;
	v3 =	vmul.f32 v1, v7  }
0xaf: {  	v1 =	vor.u32 v0, v4  }
0xb0: {  	v2 =	vadd.f32 v3, v2;
	_ =	sdelay $0x1  }
0xb1: {  	s20 =	simm.s32 $0x8610;
	v3 =	vor.u32 $0x1, v1;
	[tilespmem:s16+$0x0] =	vst v2  }
0xb2: {  	v2 =	vld [tilespmem:s20+$0x0]  }
0xb3: {  	v4 =	vor.u32 $0x2, v1;
	v5 =	vld.idx.msk [tilespmem:v1+s14+$0x0], $0xffff  }
0xb4: {  	s22 =	simm.s32 $0x8410;
	v6 =	vld.idx.msk [tilespmem:v1+s15+$0x0], $0xffff  }
0xb5: {  	v7 =	vor.u32 $0x3, v1;
	v63 =	vld [tilespmem:s22+$0x0]  }
0xb6: {  	v16 =	vld.idx.msk [tilespmem:v3+s14+$0x0], $0xffff  }
0xb7: {  	v17 =	vor.u32 $0x4, v1;
	v3 =	vld.idx.msk [tilespmem:v3+s15+$0x0], $0xffff  }
0xb8: {  	v18 =	vld.idx.msk [tilespmem:v4+s14+$0x0], $0xffff  }
0xb9: {  	v19 =	vor.u32 $0x5, v1;
	v4 =	vld.idx.msk [tilespmem:v4+s15+$0x0], $0xffff  }
0xba: {  	v20 =	vld.idx.msk [tilespmem:v7+s14+$0x0], $0xffff;
	v2 =	vadd.f32 v2, v63;
	v5 =	vmul.f32 v6, v5  }
0xbb: {  	v6 =	vld.idx.msk [tilespmem:v7+s15+$0x0], $0xffff;
	v7 =	vor.u32 $0x6, v1  }
0xbc: {  	v21 =	vld.idx.msk [tilespmem:v17+s14+$0x0], $0xffff;
	v2 =	vadd.f32 v5, v2;
	v3 =	vmul.f32 v3, v16  }
0xbd: {  	v22 =	vor.u32 $0x7, v1;
	v5 =	vld.idx.msk [tilespmem:v17+s15+$0x0], $0xffff  }
0xbe: {  	v23 =	vld.idx.msk [tilespmem:v19+s14+$0x0], $0xffff;
	v2 =	vadd.f32 v3, v2;
	v3 =	vmul.f32 v4, v18  }
0xbf: {  	v24 =	vor.u32 $0x8, v1;
	v4 =	vld.idx.msk [tilespmem:v19+s15+$0x0], $0xffff  }
0xc0: {  	v25 =	vld.idx.msk [tilespmem:v7+s14+$0x0], $0xffff;
	v2 =	vadd.f32 v3, v2;
	v3 =	vmul.f32 v6, v20  }
0xc1: {  	v6 =	vld.idx.msk [tilespmem:v7+s15+$0x0], $0xffff;
	v7 =	vor.u32 $0x9, v1  }
0xc2: {  	v26 =	vld.idx.msk [tilespmem:v22+s14+$0x0], $0xffff;
	v2 =	vadd.f32 v3, v2;
	v3 =	vmul.f32 v5, v21  }
0xc3: {  	v27 =	vor.u32 $0xA, v1;
	v5 =	vld.idx.msk [tilespmem:v22+s15+$0x0], $0xffff  }
0xc4: {  	v28 =	vld.idx.msk [tilespmem:v24+s14+$0x0], $0xffff;
	v2 =	vadd.f32 v3, v2;
	v3 =	vmul.f32 v4, v23  }
0xc5: {  	v29 =	vor.u32 $0xB, v1;
	v4 =	vld.idx.msk [tilespmem:v24+s15+$0x0], $0xffff  }
0xc6: {  	v30 =	vld.idx.msk [tilespmem:v7+s14+$0x0], $0xffff;
	v2 =	vadd.f32 v3, v2;
	v3 =	vmul.f32 v6, v25  }
0xc7: {  	v6 =	vld.idx.msk [tilespmem:v7+s15+$0x0], $0xffff;
	v7 =	vor.u32 $0xC, v1  }
0xc8: {  	v31 =	vld.idx.msk [tilespmem:v27+s14+$0x0], $0xffff;
	v2 =	vadd.f32 v3, v2;
	v3 =	vmul.f32 v5, v26  }
0xc9: {  	v32 =	vor.u32 $0xD, v1;
	v5 =	vld.idx.msk [tilespmem:v27+s15+$0x0], $0xffff  }
0xca: {  	v33 =	vld.idx.msk [tilespmem:v29+s14+$0x0], $0xffff;
	v2 =	vadd.f32 v3, v2;
	v3 =	vmul.f32 v4, v28  }
0xcb: {  	v34 =	vor.u32 $0xE, v1;
	v4 =	vld.idx.msk [tilespmem:v29+s15+$0x0], $0xffff  }
0xcc: {  	v35 =	vld.idx.msk [tilespmem:v7+s14+$0x0], $0xffff;
	v2 =	vadd.f32 v3, v2;
	v3 =	vmul.f32 v6, v30  }
0xcd: {  	v6 =	vld.idx.msk [tilespmem:v7+s15+$0x0], $0xffff;
	v7 =	vor.u32 $0xF, v1  }
0xce: {  	v36 =	vld.idx.msk [tilespmem:v32+s14+$0x0], $0xffff;
	v2 =	vadd.f32 v3, v2;
	v3 =	vmul.f32 v5, v31  }
0xcf: {  	v37 =	vor.u32 $0x10, v1;
	v5 =	vld.idx.msk [tilespmem:v32+s15+$0x0], $0xffff  }
0xd0: {  	v38 =	vld.idx.msk [tilespmem:v34+s14+$0x0], $0xffff;
	v2 =	vadd.f32 v3, v2;
	v3 =	vmul.f32 v4, v33  }
0xd1: {  	v39 =	vor.u32 $0x11, v1;
	v4 =	vld.idx.msk [tilespmem:v34+s15+$0x0], $0xffff  }
0xd2: {  	v40 =	vld.idx.msk [tilespmem:v7+s14+$0x0], $0xffff;
	v2 =	vadd.f32 v3, v2;
	v3 =	vmul.f32 v6, v35  }
0xd3: {  	v6 =	vld.idx.msk [tilespmem:v7+s15+$0x0], $0xffff;
	v7 =	vor.u32 $0x12, v1  }
0xd4: {  	v41 =	vld.idx.msk [tilespmem:v37+s14+$0x0], $0xffff;
	v2 =	vadd.f32 v3, v2;
	v3 =	vmul.f32 v5, v36  }
0xd5: {  	v42 =	vor.u32 $0x13, v1;
	v5 =	vld.idx.msk [tilespmem:v37+s15+$0x0], $0xffff  }
0xd6: {  	v43 =	vld.idx.msk [tilespmem:v39+s14+$0x0], $0xffff;
	v2 =	vadd.f32 v3, v2;
	v3 =	vmul.f32 v4, v38  }
0xd7: {  	v44 =	vor.u32 $0x14, v1;
	v4 =	vld.idx.msk [tilespmem:v39+s15+$0x0], $0xffff  }
0xd8: {  	v45 =	vld.idx.msk [tilespmem:v7+s14+$0x0], $0xffff;
	v2 =	vadd.f32 v3, v2;
	v3 =	vmul.f32 v6, v40  }
0xd9: {  	v6 =	vld.idx.msk [tilespmem:v7+s15+$0x0], $0xffff;
	v7 =	vor.u32 $0x15, v1  }
0xda: {  	v46 =	vld.idx.msk [tilespmem:v42+s14+$0x0], $0xffff;
	v2 =	vadd.f32 v3, v2;
	v3 =	vmul.f32 v5, v41  }
0xdb: {  	v47 =	vor.u32 $0x16, v1;
	v5 =	vld.idx.msk [tilespmem:v42+s15+$0x0], $0xffff  }
0xdc: {  	v48 =	vld.idx.msk [tilespmem:v44+s14+$0x0], $0xffff;
	v2 =	vadd.f32 v3, v2;
	v3 =	vmul.f32 v4, v43  }
0xdd: {  	v49 =	vor.u32 $0x17, v1;
	v4 =	vld.idx.msk [tilespmem:v44+s15+$0x0], $0xffff  }
0xde: {  	v50 =	vld.idx.msk [tilespmem:v7+s14+$0x0], $0xffff;
	v2 =	vadd.f32 v3, v2;
	v3 =	vmul.f32 v6, v45  }
0xdf: {  	v6 =	vld.idx.msk [tilespmem:v7+s15+$0x0], $0xffff;
	v7 =	vor.u32 $0x18, v1  }
0xe0: {  	v51 =	vld.idx.msk [tilespmem:v47+s14+$0x0], $0xffff;
	v2 =	vadd.f32 v3, v2;
	v3 =	vmul.f32 v5, v46  }
0xe1: {  	v52 =	vor.u32 $0x19, v1;
	v5 =	vld.idx.msk [tilespmem:v47+s15+$0x0], $0xffff  }
0xe2: {  	v53 =	vld.idx.msk [tilespmem:v49+s14+$0x0], $0xffff;
	v2 =	vadd.f32 v3, v2;
	v3 =	vmul.f32 v4, v48  }
0xe3: {  	v54 =	vor.u32 $0x1A, v1;
	v4 =	vld.idx.msk [tilespmem:v49+s15+$0x0], $0xffff  }
0xe4: {  	v55 =	vld.idx.msk [tilespmem:v7+s14+$0x0], $0xffff;
	v2 =	vadd.f32 v3, v2;
	v3 =	vmul.f32 v6, v50  }
0xe5: {  	v6 =	vld.idx.msk [tilespmem:v7+s15+$0x0], $0xffff;
	v7 =	vor.u32 $0x1B, v1  }
0xe6: {  	v56 =	vld.idx.msk [tilespmem:v52+s14+$0x0], $0xffff;
	v2 =	vadd.f32 v3, v2;
	v3 =	vmul.f32 v5, v51  }
0xe7: {  	v57 =	vor.u32 $0x1C, v1;
	v5 =	vld.idx.msk [tilespmem:v52+s15+$0x0], $0xffff  }
0xe8: {  	v58 =	vld.idx.msk [tilespmem:v54+s14+$0x0], $0xffff;
	v2 =	vadd.f32 v3, v2;
	v3 =	vmul.f32 v4, v53  }
0xe9: {  	v59 =	vor.u32 $0x1D, v1;
	v4 =	vld.idx.msk [tilespmem:v54+s15+$0x0], $0xffff  }
0xea: {  	v60 =	vld.idx.msk [tilespmem:v7+s14+$0x0], $0xffff;
	v2 =	vadd.f32 v3, v2;
	v3 =	vmul.f32 v6, v55  }
0xeb: {  	v6 =	vld.idx.msk [tilespmem:v7+s15+$0x0], $0xffff;
	v7 =	vor.u32 $0x1E, v1  }
0xec: {  	v61 =	vld.idx.msk [tilespmem:v57+s14+$0x0], $0xffff;
	v2 =	vadd.f32 v3, v2;
	v3 =	vmul.f32 v5, v56  }
0xed: {  	v1 =	vor.u32 $0x1F, v1;
	v5 =	vld.idx.msk [tilespmem:v57+s15+$0x0], $0xffff  }
0xee: {  	v62 =	vld.idx.msk [tilespmem:v59+s14+$0x0], $0xffff;
	v2 =	vadd.f32 v3, v2;
	v3 =	vmul.f32 v4, v58  }
0xef: {  	v4 =	vld.idx.msk [tilespmem:v59+s15+$0x0], $0xffff  }
0xf0: {  	v63 =	vld.idx.msk [tilespmem:v7+s14+$0x0], $0xffff;
	v2 =	vadd.f32 v3, v2;
	v3 =	vmul.f32 v6, v60  }
0xf1: {  	v6 =	vld.idx.msk [tilespmem:v7+s15+$0x0], $0xffff  }
0xf2: {  	v7 =	vld.idx.msk [tilespmem:v1+s14+$0x0], $0xffff;
	v2 =	vadd.f32 v3, v2;
	v3 =	vmul.f32 v5, v61  }
0xf3: {  	v5 =	vld.idx.msk [tilespmem:v1+s15+$0x0], $0xffff  }
0xf4: {  	s25 =	simm.s32 $0x20;
	v1 =	vadd.f32 v3, v2;
	v2 =	vmul.f32 v4, v62  }
0xf5: {  	v3 =	vmov s25  }
0xf6: {  	v3 =	vshll.u32 v3, $0x5;
	v6 =	vmul.f32 v6, v63;
	v4 =	vadd.f32 v2, v1  }
0xf7: {  	v1 =	vor.u32 v0, v3  }
0xf8: {  	v2 =	vor.u32 $0x1, v1;
	v3 =	vadd.f32 v6, v4;
	v4 =	vmul.f32 v5, v7  }
0xf9: {  	s24 =	simm.s32 $0x8800;
	s25 =	simm.s32 $0x30  }
.LBB2_2:
0xfa: {  	p0 =	sne.s32 s25, $0x1F0;
	v3 =	vadd.f32 v4, v3  }
0xfb: {  	s24 =	sadd.s32 $0x10, s24  }
0xfc: {  	[tilespmem:s24+$0x0] =	vst v3  }
0xfd: {  	s20 =	sadd.s32 $0x10, s20;
	v3 =	vld.idx.msk [tilespmem:v2+s14+$0x0], $0xffff  }
0xfe: {  	v5 =	vor.u32 $0x2, v1;
	v4 =	vld [tilespmem:s20+$0x0]  }
0xff: {  	v6 =	vld.idx.msk [tilespmem:v1+s14+$0x0], $0xffff  }
0x100: {  	v8 =	vor.u32 $0x3, v1;
	s22 =	sadd.s32 $0x10, s22;
	v7 =	vld.idx.msk [tilespmem:v1+s15+$0x0], $0xffff  }
0x101: {  	v9 =	vld [tilespmem:s22+$0x0]  }
0x102: {  	v10 =	vor.u32 $0x4, v1;
	v2 =	vld.idx.msk [tilespmem:v2+s15+$0x0], $0xffff  }
0x103: {  	v11 =	vld.idx.msk [tilespmem:v5+s14+$0x0], $0xffff  }
0x104: {  	v12 =	vor.u32 $0x5, v1;
	v5 =	vld.idx.msk [tilespmem:v5+s15+$0x0], $0xffff  }
0x105: {  	v13 =	vld.idx.msk [tilespmem:v8+s14+$0x0], $0xffff  }
0x106: {  	v6 =	vmul.f32 v7, v6;
	v4 =	vadd.f32 v4, v9;
	v7 =	vld.idx.msk [tilespmem:v8+s15+$0x0], $0xffff;
	v8 =	vor.u32 $0x6, v1  }
0x107: {  	v9 =	vld.idx.msk [tilespmem:v10+s14+$0x0], $0xffff  }
0x108: {  	v2 =	vmul.f32 v2, v3;
	v4 =	vadd.f32 v6, v4;
	v3 =	vld.idx.msk [tilespmem:v10+s15+$0x0], $0xffff;
	v6 =	vor.u32 $0x7, v1  }
0x109: {  	v10 =	vld.idx.msk [tilespmem:v12+s14+$0x0], $0xffff  }
0x10a: {  	v2 =	vadd.f32 v2, v4;
	v4 =	vmul.f32 v5, v11;
	v5 =	vld.idx.msk [tilespmem:v12+s15+$0x0], $0xffff;
	v11 =	vor.u32 $0x8, v1  }
0x10b: {  	v12 =	vld.idx.msk [tilespmem:v8+s14+$0x0], $0xffff  }
0x10c: {  	v2 =	vadd.f32 v4, v2;
	v4 =	vmul.f32 v7, v13;
	v7 =	vld.idx.msk [tilespmem:v8+s15+$0x0], $0xffff;
	v8 =	vor.u32 $0x9, v1  }
0x10d: {  	v13 =	vld.idx.msk [tilespmem:v6+s14+$0x0], $0xffff  }
0x10e: {  	v3 =	vmul.f32 v3, v9;
	v2 =	vadd.f32 v4, v2;
	v4 =	vld.idx.msk [tilespmem:v6+s15+$0x0], $0xffff;
	v6 =	vor.u32 $0xA, v1  }
0x10f: {  	v9 =	vld.idx.msk [tilespmem:v11+s14+$0x0], $0xffff  }
0x110: {  	v2 =	vadd.f32 v3, v2;
	v3 =	vmul.f32 v5, v10;
	v5 =	vld.idx.msk [tilespmem:v11+s15+$0x0], $0xffff;
	v10 =	vor.u32 $0xB, v1  }
0x111: {  	v11 =	vld.idx.msk [tilespmem:v8+s14+$0x0], $0xffff  }
0x112: {  	v2 =	vadd.f32 v3, v2;
	v3 =	vmul.f32 v7, v12;
	v7 =	vld.idx.msk [tilespmem:v8+s15+$0x0], $0xffff;
	v8 =	vor.u32 $0xC, v1  }
0x113: {  	v12 =	vld.idx.msk [tilespmem:v6+s14+$0x0], $0xffff  }
0x114: {  	v2 =	vadd.f32 v3, v2;
	v3 =	vmul.f32 v4, v13;
	v4 =	vld.idx.msk [tilespmem:v6+s15+$0x0], $0xffff;
	v6 =	vor.u32 $0xD, v1  }
0x115: {  	v13 =	vld.idx.msk [tilespmem:v10+s14+$0x0], $0xffff  }
0x116: {  	v2 =	vadd.f32 v3, v2;
	v3 =	vmul.f32 v5, v9;
	v5 =	vld.idx.msk [tilespmem:v10+s15+$0x0], $0xffff;
	v9 =	vor.u32 $0xE, v1  }
0x117: {  	v10 =	vld.idx.msk [tilespmem:v8+s14+$0x0], $0xffff  }
0x118: {  	v2 =	vadd.f32 v3, v2;
	v3 =	vmul.f32 v7, v11;
	v7 =	vld.idx.msk [tilespmem:v8+s15+$0x0], $0xffff;
	v8 =	vor.u32 $0xF, v1  }
0x119: {  	v11 =	vld.idx.msk [tilespmem:v6+s14+$0x0], $0xffff  }
0x11a: {  	v2 =	vadd.f32 v3, v2;
	v3 =	vmul.f32 v4, v12;
	v4 =	vld.idx.msk [tilespmem:v6+s15+$0x0], $0xffff;
	v6 =	vor.u32 $0x10, v1  }
0x11b: {  	v12 =	vld.idx.msk [tilespmem:v9+s14+$0x0], $0xffff  }
0x11c: {  	v2 =	vadd.f32 v3, v2;
	v3 =	vmul.f32 v5, v13;
	v5 =	vld.idx.msk [tilespmem:v9+s15+$0x0], $0xffff;
	v9 =	vor.u32 $0x11, v1  }
0x11d: {  	v13 =	vld.idx.msk [tilespmem:v8+s14+$0x0], $0xffff  }
0x11e: {  	v2 =	vadd.f32 v3, v2;
	v3 =	vmul.f32 v7, v10;
	v7 =	vld.idx.msk [tilespmem:v8+s15+$0x0], $0xffff;
	v8 =	vor.u32 $0x12, v1  }
0x11f: {  	v10 =	vld.idx.msk [tilespmem:v6+s14+$0x0], $0xffff  }
0x120: {  	v2 =	vadd.f32 v3, v2;
	v3 =	vmul.f32 v4, v11;
	v4 =	vld.idx.msk [tilespmem:v6+s15+$0x0], $0xffff;
	v6 =	vor.u32 $0x13, v1  }
0x121: {  	v11 =	vld.idx.msk [tilespmem:v9+s14+$0x0], $0xffff  }
0x122: {  	v2 =	vadd.f32 v3, v2;
	v3 =	vmul.f32 v5, v12;
	v5 =	vld.idx.msk [tilespmem:v9+s15+$0x0], $0xffff;
	v9 =	vor.u32 $0x14, v1  }
0x123: {  	v12 =	vld.idx.msk [tilespmem:v8+s14+$0x0], $0xffff  }
0x124: {  	v2 =	vadd.f32 v3, v2;
	v3 =	vmul.f32 v7, v13;
	v7 =	vld.idx.msk [tilespmem:v8+s15+$0x0], $0xffff;
	v8 =	vor.u32 $0x15, v1  }
0x125: {  	v13 =	vld.idx.msk [tilespmem:v6+s14+$0x0], $0xffff  }
0x126: {  	v2 =	vadd.f32 v3, v2;
	v3 =	vmul.f32 v4, v10;
	v4 =	vld.idx.msk [tilespmem:v6+s15+$0x0], $0xffff;
	v6 =	vor.u32 $0x16, v1  }
0x127: {  	v10 =	vld.idx.msk [tilespmem:v9+s14+$0x0], $0xffff  }
0x128: {  	v2 =	vadd.f32 v3, v2;
	v3 =	vmul.f32 v5, v11;
	v5 =	vld.idx.msk [tilespmem:v9+s15+$0x0], $0xffff;
	v9 =	vor.u32 $0x17, v1  }
0x129: {  	v11 =	vld.idx.msk [tilespmem:v8+s14+$0x0], $0xffff  }
0x12a: {  	v2 =	vadd.f32 v3, v2;
	v3 =	vmul.f32 v7, v12;
	v7 =	vld.idx.msk [tilespmem:v8+s15+$0x0], $0xffff;
	v8 =	vor.u32 $0x18, v1  }
0x12b: {  	v12 =	vld.idx.msk [tilespmem:v6+s14+$0x0], $0xffff  }
0x12c: {  	v2 =	vadd.f32 v3, v2;
	v3 =	vmul.f32 v4, v13;
	v4 =	vld.idx.msk [tilespmem:v6+s15+$0x0], $0xffff;
	v6 =	vor.u32 $0x19, v1  }
0x12d: {  	v13 =	vld.idx.msk [tilespmem:v9+s14+$0x0], $0xffff  }
0x12e: {  	v2 =	vadd.f32 v3, v2;
	v3 =	vmul.f32 v5, v10;
	v5 =	vld.idx.msk [tilespmem:v9+s15+$0x0], $0xffff;
	v9 =	vor.u32 $0x1A, v1  }
0x12f: {  	v10 =	vld.idx.msk [tilespmem:v8+s14+$0x0], $0xffff  }
0x130: {  	v2 =	vadd.f32 v3, v2;
	v3 =	vmul.f32 v7, v11;
	v7 =	vld.idx.msk [tilespmem:v8+s15+$0x0], $0xffff;
	v8 =	vor.u32 $0x1B, v1  }
0x131: {  	v11 =	vld.idx.msk [tilespmem:v6+s14+$0x0], $0xffff  }
0x132: {  	v2 =	vadd.f32 v3, v2;
	v3 =	vmul.f32 v4, v12;
	v4 =	vld.idx.msk [tilespmem:v6+s15+$0x0], $0xffff;
	v6 =	vor.u32 $0x1C, v1  }
0x133: {  	v12 =	vld.idx.msk [tilespmem:v9+s14+$0x0], $0xffff  }
0x134: {  	v2 =	vadd.f32 v3, v2;
	v3 =	vmul.f32 v5, v13;
	v5 =	vld.idx.msk [tilespmem:v9+s15+$0x0], $0xffff;
	v9 =	vor.u32 $0x1D, v1  }
0x135: {  	v13 =	vld.idx.msk [tilespmem:v8+s14+$0x0], $0xffff  }
0x136: {  	v2 =	vadd.f32 v3, v2;
	v3 =	vmul.f32 v7, v10;
	v7 =	vld.idx.msk [tilespmem:v8+s15+$0x0], $0xffff;
	v8 =	vor.u32 $0x1E, v1  }
0x137: {  	v10 =	vld.idx.msk [tilespmem:v6+s14+$0x0], $0xffff  }
0x138: {  	v1 =	vor.u32 $0x1F, v1;
	v2 =	vadd.f32 v3, v2;
	v3 =	vmul.f32 v4, v11;
	v4 =	vld.idx.msk [tilespmem:v6+s15+$0x0], $0xffff  }
0x139: {  	v6 =	vld.idx.msk [tilespmem:v9+s14+$0x0], $0xffff  }
0x13a: {  	v2 =	vadd.f32 v3, v2;
	v3 =	vmul.f32 v5, v12;
	v5 =	vld.idx.msk [tilespmem:v9+s15+$0x0], $0xffff  }
0x13b: {  	v9 =	vld.idx.msk [tilespmem:v8+s14+$0x0], $0xffff  }
0x13c: {  	v2 =	vadd.f32 v3, v2;
	v3 =	vmul.f32 v7, v13;
	v7 =	vld.idx.msk [tilespmem:v8+s15+$0x0], $0xffff  }
0x13d: {  	v8 =	vld.idx.msk [tilespmem:v1+s14+$0x0], $0xffff  }
0x13e: {  	v2 =	vadd.f32 v3, v2;
	v3 =	vmul.f32 v4, v10;
	v4 =	vld.idx.msk [tilespmem:v1+s15+$0x0], $0xffff;
	_ =	sdelay $0x1  }
0x13f: {  	v1 =	vadd.f32 v3, v2;
	v2 =	vmul.f32 v5, v6  }
.Ltmp0:
0x140: {  	v3 =	vmov s25;
	(pc) =	sbr.rel @p0 .LBB2_2-.Ltmp0, $4  }
0x141: {  	v3 =	vshll.u32 v3, $0x5;
	v6 =	vmul.f32 v7, v9;
	v5 =	vadd.f32 v2, v1  }
0x142: {  	v1 =	vor.u32 v0, v3  }
0x143: {  	v2 =	vor.u32 $0x1, v1;
	v4 =	vmul.f32 v4, v8;
	v3 =	vadd.f32 v6, v5  }
0x144: {  	s25 =	sadd.s32 $0x10, s25  }
0x145: {  	v3 =	vadd.f32 v4, v3  }
0x146: {  	s24 =	sadd.s32 $0x10, s24  }
0x147: {  	s20 =	sadd.s32 $0x10, s20;
	[tilespmem:s24+$0x0] =	vst v3  }
0x148: {  	v3 =	vld [tilespmem:s20+$0x0]  }
0x149: {  	v30 =	vor.u32 $0x2, v1;
	v5 =	vld.idx.msk [tilespmem:v1+s14+$0x0], $0xffff  }
0x14a: {  	s22 =	sadd.s32 $0x10, s22;
	v6 =	vld.idx.msk [tilespmem:v1+s15+$0x0], $0xffff  }
0x14b: {  	v7 =	vor.u32 $0x3, v1;
	v8 =	vld [tilespmem:s22+$0x0]  }
0x14c: {  	v9 =	vld.idx.msk [tilespmem:v2+s14+$0x0], $0xffff  }
0x14d: {  	v10 =	vor.u32 $0x4, v1;
	v2 =	vld.idx.msk [tilespmem:v2+s15+$0x0], $0xffff  }
0x14e: {  	v11 =	vld.idx.msk [tilespmem:v30+s14+$0x0], $0xffff  }
0x14f: {  	v12 =	vor.u32 $0x5, v1;
	v4 =	vld.idx.msk [tilespmem:v30+s15+$0x0], $0xffff  }
0x150: {  	v13 =	vld.idx.msk [tilespmem:v7+s14+$0x0], $0xffff;
	v3 =	vadd.f32 v3, v8;
	v5 =	vmul.f32 v6, v5  }
0x151: {  	v32 =	vor.u32 $0x6, v1;
	v31 =	vld.idx.msk [tilespmem:v7+s15+$0x0], $0xffff  }
0x152: {  	v33 =	vld.idx.msk [tilespmem:v10+s14+$0x0], $0xffff;
	v2 =	vmul.f32 v2, v9;
	v3 =	vadd.f32 v5, v3  }
0x153: {  	v35 =	vor.u32 $0x7, v1;
	v34 =	vld.idx.msk [tilespmem:v10+s15+$0x0], $0xffff  }
0x154: {  	v36 =	vld.idx.msk [tilespmem:v12+s14+$0x0], $0xffff;
	v2 =	vadd.f32 v2, v3;
	v3 =	vmul.f32 v4, v11  }
0x155: {  	v38 =	vor.u32 $0x8, v1;
	v37 =	vld.idx.msk [tilespmem:v12+s15+$0x0], $0xffff  }
0x156: {  	v39 =	vld.idx.msk [tilespmem:v32+s14+$0x0], $0xffff;
	v2 =	vadd.f32 v3, v2;
	v3 =	vmul.f32 v31, v13  }
0x157: {  	v41 =	vor.u32 $0x9, v1;
	v40 =	vld.idx.msk [tilespmem:v32+s15+$0x0], $0xffff  }
0x158: {  	v42 =	vld.idx.msk [tilespmem:v35+s14+$0x0], $0xffff;
	v2 =	vadd.f32 v3, v2;
	v3 =	vmul.f32 v34, v33  }
0x159: {  	v44 =	vor.u32 $0xA, v1;
	v43 =	vld.idx.msk [tilespmem:v35+s15+$0x0], $0xffff  }
0x15a: {  	v45 =	vld.idx.msk [tilespmem:v38+s14+$0x0], $0xffff;
	v2 =	vadd.f32 v3, v2;
	v3 =	vmul.f32 v37, v36  }
0x15b: {  	v47 =	vor.u32 $0xB, v1;
	v46 =	vld.idx.msk [tilespmem:v38+s15+$0x0], $0xffff  }
0x15c: {  	v48 =	vld.idx.msk [tilespmem:v41+s14+$0x0], $0xffff;
	v2 =	vadd.f32 v3, v2;
	v3 =	vmul.f32 v40, v39  }
0x15d: {  	v50 =	vor.u32 $0xC, v1;
	v49 =	vld.idx.msk [tilespmem:v41+s15+$0x0], $0xffff  }
0x15e: {  	v51 =	vld.idx.msk [tilespmem:v44+s14+$0x0], $0xffff;
	v2 =	vadd.f32 v3, v2;
	v3 =	vmul.f32 v43, v42  }
0x15f: {  	v53 =	vor.u32 $0xD, v1;
	v52 =	vld.idx.msk [tilespmem:v44+s15+$0x0], $0xffff  }
0x160: {  	v54 =	vld.idx.msk [tilespmem:v47+s14+$0x0], $0xffff;
	v2 =	vadd.f32 v3, v2;
	v3 =	vmul.f32 v46, v45  }
0x161: {  	v56 =	vor.u32 $0xE, v1;
	v55 =	vld.idx.msk [tilespmem:v47+s15+$0x0], $0xffff  }
0x162: {  	v57 =	vld.idx.msk [tilespmem:v50+s14+$0x0], $0xffff;
	v2 =	vadd.f32 v3, v2;
	v3 =	vmul.f32 v49, v48  }
0x163: {  	v59 =	vor.u32 $0xF, v1;
	v58 =	vld.idx.msk [tilespmem:v50+s15+$0x0], $0xffff  }
0x164: {  	v60 =	vld.idx.msk [tilespmem:v53+s14+$0x0], $0xffff;
	v2 =	vadd.f32 v3, v2;
	v3 =	vmul.f32 v52, v51  }
0x165: {  	v62 =	vor.u32 $0x10, v1;
	v61 =	vld.idx.msk [tilespmem:v53+s15+$0x0], $0xffff  }
0x166: {  	v63 =	vld.idx.msk [tilespmem:v56+s14+$0x0], $0xffff;
	v2 =	vadd.f32 v3, v2;
	v3 =	vmul.f32 v55, v54  }
0x167: {  	v17 =	vor.u32 $0x11, v1;
	v16 =	vld.idx.msk [tilespmem:v56+s15+$0x0], $0xffff  }
0x168: {  	v18 =	vld.idx.msk [tilespmem:v59+s14+$0x0], $0xffff;
	v2 =	vadd.f32 v3, v2;
	v3 =	vmul.f32 v58, v57  }
0x169: {  	v20 =	vor.u32 $0x12, v1;
	v19 =	vld.idx.msk [tilespmem:v59+s15+$0x0], $0xffff  }
0x16a: {  	v21 =	vld.idx.msk [tilespmem:v62+s14+$0x0], $0xffff;
	v2 =	vadd.f32 v3, v2;
	v3 =	vmul.f32 v61, v60  }
0x16b: {  	v23 =	vor.u32 $0x13, v1;
	v22 =	vld.idx.msk [tilespmem:v62+s15+$0x0], $0xffff  }
0x16c: {  	v24 =	vld.idx.msk [tilespmem:v17+s14+$0x0], $0xffff;
	v2 =	vadd.f32 v3, v2;
	v3 =	vmul.f32 v16, v63  }
0x16d: {  	v26 =	vor.u32 $0x14, v1;
	v25 =	vld.idx.msk [tilespmem:v17+s15+$0x0], $0xffff  }
0x16e: {  	v27 =	vld.idx.msk [tilespmem:v20+s14+$0x0], $0xffff;
	v2 =	vadd.f32 v3, v2;
	v3 =	vmul.f32 v19, v18  }
0x16f: {  	v29 =	vor.u32 $0x15, v1;
	v28 =	vld.idx.msk [tilespmem:v20+s15+$0x0], $0xffff  }
0x170: {  	v30 =	vld.idx.msk [tilespmem:v23+s14+$0x0], $0xffff;
	v2 =	vadd.f32 v3, v2;
	v3 =	vmul.f32 v22, v21  }
0x171: {  	v32 =	vor.u32 $0x16, v1;
	v31 =	vld.idx.msk [tilespmem:v23+s15+$0x0], $0xffff  }
0x172: {  	v33 =	vld.idx.msk [tilespmem:v26+s14+$0x0], $0xffff;
	v2 =	vadd.f32 v3, v2;
	v3 =	vmul.f32 v25, v24  }
0x173: {  	v35 =	vor.u32 $0x17, v1;
	v34 =	vld.idx.msk [tilespmem:v26+s15+$0x0], $0xffff  }
0x174: {  	v36 =	vld.idx.msk [tilespmem:v29+s14+$0x0], $0xffff;
	v2 =	vadd.f32 v3, v2;
	v3 =	vmul.f32 v28, v27  }
0x175: {  	v38 =	vor.u32 $0x18, v1;
	v37 =	vld.idx.msk [tilespmem:v29+s15+$0x0], $0xffff  }
0x176: {  	v39 =	vld.idx.msk [tilespmem:v32+s14+$0x0], $0xffff;
	v2 =	vadd.f32 v3, v2;
	v3 =	vmul.f32 v31, v30  }
0x177: {  	v41 =	vor.u32 $0x19, v1;
	v40 =	vld.idx.msk [tilespmem:v32+s15+$0x0], $0xffff  }
0x178: {  	v42 =	vld.idx.msk [tilespmem:v35+s14+$0x0], $0xffff;
	v2 =	vadd.f32 v3, v2;
	v3 =	vmul.f32 v34, v33  }
0x179: {  	v44 =	vor.u32 $0x1A, v1;
	v43 =	vld.idx.msk [tilespmem:v35+s15+$0x0], $0xffff  }
0x17a: {  	v45 =	vld.idx.msk [tilespmem:v38+s14+$0x0], $0xffff;
	v2 =	vadd.f32 v3, v2;
	v3 =	vmul.f32 v37, v36  }
0x17b: {  	v47 =	vor.u32 $0x1B, v1;
	v46 =	vld.idx.msk [tilespmem:v38+s15+$0x0], $0xffff  }
0x17c: {  	v48 =	vld.idx.msk [tilespmem:v41+s14+$0x0], $0xffff;
	v2 =	vadd.f32 v3, v2;
	v3 =	vmul.f32 v40, v39  }
0x17d: {  	v50 =	vor.u32 $0x1C, v1;
	v49 =	vld.idx.msk [tilespmem:v41+s15+$0x0], $0xffff  }
0x17e: {  	v51 =	vld.idx.msk [tilespmem:v44+s14+$0x0], $0xffff;
	v2 =	vadd.f32 v3, v2;
	v3 =	vmul.f32 v43, v42  }
0x17f: {  	v53 =	vor.u32 $0x1D, v1;
	v52 =	vld.idx.msk [tilespmem:v44+s15+$0x0], $0xffff  }
0x180: {  	v54 =	vld.idx.msk [tilespmem:v47+s14+$0x0], $0xffff;
	v2 =	vadd.f32 v3, v2;
	v3 =	vmul.f32 v46, v45  }
0x181: {  	v56 =	vor.u32 $0x1E, v1;
	v55 =	vld.idx.msk [tilespmem:v47+s15+$0x0], $0xffff  }
0x182: {  	v57 =	vld.idx.msk [tilespmem:v50+s14+$0x0], $0xffff;
	v2 =	vadd.f32 v3, v2;
	v3 =	vmul.f32 v49, v48  }
0x183: {  	v1 =	vor.u32 $0x1F, v1;
	v58 =	vld.idx.msk [tilespmem:v50+s15+$0x0], $0xffff  }
0x184: {  	v59 =	vld.idx.msk [tilespmem:v53+s14+$0x0], $0xffff;
	v2 =	vadd.f32 v3, v2;
	v3 =	vmul.f32 v52, v51  }
0x185: {  	v60 =	vld.idx.msk [tilespmem:v53+s15+$0x0], $0xffff  }
0x186: {  	v62 =	vld.idx.msk [tilespmem:v56+s15+$0x0], $0xffff;
	v2 =	vadd.f32 v3, v2;
	v3 =	vmul.f32 v55, v54  }
0x187: {  	v61 =	vld.idx.msk [tilespmem:v56+s14+$0x0], $0xffff  }
0x188: {  	v63 =	vld.idx.msk [tilespmem:v1+s14+$0x0], $0xffff;
	v2 =	vadd.f32 v3, v2;
	v3 =	vmul.f32 v58, v57  }
0x189: {  	v1 =	vld.idx.msk [tilespmem:v1+s15+$0x0], $0xffff  }
0x18a: {  	v2 =	vadd.f32 v3, v2;
	v3 =	vmul.f32 v60, v59;
	_ =	sdelay $0x1  }
0x18b: {  	v2 =	vadd.f32 v3, v2;
	v3 =	vmul.f32 v62, v61;
	_ =	sdelay $0x1  }
0x18c: {  	v1 =	vmul.f32 v1, v63;
	v2 =	vadd.f32 v3, v2;
	_ =	sdelay $0x1  }
0x18d: {  	s19 =	sadd.s32 $0x1, s19;
	v1 =	vadd.f32 v1, v2  }
0x18e: {  	s25 =	sadd.s32 $0x10, s24;
	p0 =	sne.s32 s19, s10  }
.Ltmp1:
0x18f: {  	[tilespmem:s25+$0x0] =	vst v1;
	(pc) =	sbr.rel @p0 .LBB2_1-.Ltmp1, $4  }
0x190: {  	[hbm4b:s9+s2] =	stream.linear.scatter [tilespmem:s16], [sflag:$0x2], $0x200, $0x38;
	[tilespmem:$0x8A00] =	vst v63  }
0x191: {  	_ =	swait.ge [sflag:s18], $0x200  }
0x192: {  	[sflag:s18] =	ssyncset.done $0x0  }
0x193: {  	[sflag:s18] =	ssyncadd.s32 $0xFFFFFE00  }
0x194: {  	_ =	sfence.sel $0x180000  }
0x195: {  	[bflag:$0x0] =	sbarrier.arrive $0xFFFF  }
0x196: {  	_ =	strace $0x90000047  }
0x197: {  	s0 =	stileid.u32;
	[bflag:$0x2] =	sbarrier.arrive $0xFFFF  }
0x198: {  	p0 =	sne.s32 s0, $0x0;
	s0 =	rddreg [dreg:$0x4]  }
0x199: {  	s0 =	sadd.s32 @!p0 $0x100000, s0  }
0x19a: {  	[sflag:s0] =	ssyncadd.tile.s32 @!p0 $0x1;
	_ =	shalt  }
.Lfunc_end2:
_tile_overlayer_lowered:
.L_overlay_start_2:
0x19b: {  	(tag) =	ssettag $0x2  }
0x19c: {  	s0 =	rddreg [dreg:$0x0];
	s2 =	stileid.u32  }
0x19d: {  	s1 =	rddreg [dreg:$0x1];
	p0 =	sne.s32 s2, $0x0  }
0x19e: {  	s3 =	rddreg [dreg:$0x2];
	[bflag:$0x3] =	sbarrier.arrive $0xFFFF;
	s2 =	simm.s32 @!p0 $0x1C02  }
0x19f: {  	[timem:s3], [sflag:s2] =	dma.local @!p0 [hbm:s0], s1  }
0x1a0: {  	s0 =	simm.s32 @!p0 $0x2  }
0x1a1: {  	_ =	swait.ge @!p0 [sflag:s0], s1  }
0x1a2: {  	s1 =	ssub.s32 @!p0 $0x0, s1;
	[sflag:s0] =	ssyncset.done @!p0 $0x0  }
0x1a3: {  	[sflag:s0] =	ssyncadd.s32 @!p0 s1  }
0x1a4: {  	[bflag:$0x3] =	sbarrier.arrive $0xFFFF  }
0x1a5: {  	_ =	shalt  }

</sc_bundles>
